<compile_context>
chip_gen: v7x
topology: tpu7x:2x2x1
jax: 0.10.2.dev20260603
libtpu: 0.0.44.dev20260713+nightly
codegen_flags: <defaults>
</compile_context>

<pallas_src>
import functools

import jax
import jax.numpy as jnp
from jax import lax
from jax.experimental import pallas as pl
from jax.experimental.pallas import tpu as pltpu
from jax.experimental.pallas import tpu_sc as plsc

_TB = 4608
_SUB = 9
_TBD = 2304

_INV_SQRT2 = 0.7071067811865476


def _gelu_exact(v):
    return 0.5 * v * (1.0 + jax.lax.erf(v * _INV_SQRT2))


def _encode_body(nsteps, inv_count,
                 x_ref, w1t_ref, b1_ref, w2t_ref, b2_ref, cbt_ref, cbsq_ref,
                 cb_ref, w3t_ref, b3_ref,
                 idx_ref, loss_ref, h2cb_ref):
    i = pl.program_id(0)
    cs = _TB // _SUB

    @pl.when(i == 0)
    def _():
        h2cb_ref[...] = _gelu_exact(
            jnp.dot(cb_ref[...], w3t_ref[...],
                    preferred_element_type=jnp.float32) + b3_ref[...])

    parts = []
    for c in range(_SUB):
        rows = pl.ds(c * cs, cs)
        h = _gelu_exact(jnp.dot(x_ref[rows, :], w1t_ref[...],
                                preferred_element_type=jnp.float32) + b1_ref[...])
        z = jnp.dot(h, w2t_ref[...],
                    preferred_element_type=jnp.float32) + b2_ref[...]

        zsq = jnp.sum(z * z, axis=1, keepdims=True)
        zc2 = jnp.dot(2.0 * z, cbt_ref[...], preferred_element_type=jnp.float32)
        dist = (zsq + cbsq_ref[...]) - zc2

        m = jnp.min(dist, axis=1, keepdims=True)
        col = jax.lax.broadcasted_iota(jnp.int32, dist.shape, 1)
        idx = jnp.min(jnp.where(dist <= m, col, dist.shape[1]), axis=1)
        idx_ref[0, 0, rows] = idx
        parts.append(jnp.sum(m))

    part = sum(parts).reshape(1, 1)

    @pl.when(i == 0)
    def _():
        loss_ref[...] = jnp.zeros_like(loss_ref)

    loss_ref[...] += part

    @pl.when(i == nsteps - 1)
    def _():
        loss_ref[...] = loss_ref[...] * (1.25 * inv_count)


def _encode(x2, W1, b1, W2, b2, codebook, W3, b3):
    T, D = x2.shape
    cb_size, cb_dim = codebook.shape
    dh = W3.shape[0]
    nsteps = T // _TB
    cbsq = jnp.sum(codebook * codebook, axis=1).reshape(1, cb_size)
    full = lambda i: (0, 0)
    grid_spec = pl.GridSpec(
        grid=(nsteps,),
        in_specs=[
            pl.BlockSpec((_TB, D), lambda i: (i, 0)),
            pl.BlockSpec((D, W1.shape[0]), full),
            pl.BlockSpec((1, W1.shape[0]), full),
            pl.BlockSpec((W1.shape[0], cb_dim), full),
            pl.BlockSpec((1, cb_dim), full),
            pl.BlockSpec((cb_dim, cb_size), full),
            pl.BlockSpec((1, cb_size), full),
            pl.BlockSpec((cb_size, cb_dim), full),
            pl.BlockSpec((cb_dim, dh), full),
            pl.BlockSpec((1, dh), full),
        ],
        out_specs=[
            pl.BlockSpec((1, 1, _TB), lambda i: (i, 0, 0)),
            pl.BlockSpec((1, 1), full),
            pl.BlockSpec((cb_size, dh), full),
        ],
    )
    out_shapes = [
        jax.ShapeDtypeStruct((nsteps, 1, _TB), jnp.int32),
        jax.ShapeDtypeStruct((1, 1), jnp.float32),
        jax.ShapeDtypeStruct((cb_size, dh), jnp.float32),
    ]
    body = functools.partial(_encode_body, nsteps, 1.0 / (T * cb_dim))
    idx, loss, h2cb = pl.pallas_call(
        body, grid_spec=grid_spec, out_shape=out_shapes)(
        x2, W1.T, b1.reshape(1, -1), W2.T, b2.reshape(1, -1),
        codebook.T, cbsq, codebook, W3.T, b3.reshape(1, -1))
    return idx.reshape(T), loss, h2cb


def _sc_gather(table, idx_flat):
    T = idx_flat.shape[0]
    n_rows, lanes = table.shape
    info = plsc.get_sparse_core_info()
    nw = info.num_cores * info.num_subcores
    b_per_w = T // nw
    mesh = plsc.VectorSubcoreMesh(core_axis_name="c", subcore_axis_name="s")

    @functools.partial(
        pl.kernel, mesh=mesh,
        out_type=jax.ShapeDtypeStruct((T, lanes), jnp.float32),
        scratch_types=[
            pltpu.VMEM((b_per_w,), jnp.int32),
            pltpu.VMEM((b_per_w, lanes), jnp.float32),
            pltpu.SemaphoreType.DMA,
        ],
    )
    def gather(table_hbm, idx_hbm, out_hbm, idx_v, rows_v, sem):
        wid = lax.axis_index("s") * info.num_cores + lax.axis_index("c")
        base = wid * b_per_w
        pltpu.sync_copy(idx_hbm.at[pl.ds(base, b_per_w)], idx_v)
        pltpu.async_copy(table_hbm.at[idx_v], rows_v, sem).wait()
        pltpu.sync_copy(rows_v, out_hbm.at[pl.ds(base, b_per_w)])

    return gather(table, idx_flat)


def _decode_body(h2q_ref, w4t_ref, b4_ref, xrec_ref):
    xrec_ref[...] = jnp.dot(h2q_ref[...], w4t_ref[...],
                            preferred_element_type=jnp.float32) + b4_ref[...]


def _decode(h2q, W4, b4):
    T, dh = h2q.shape
    D = W4.shape[0]
    nsteps = T // _TBD
    full = lambda i: (0, 0)
    grid_spec = pl.GridSpec(
        grid=(nsteps,),
        in_specs=[
            pl.BlockSpec((_TBD, dh), lambda i: (i, 0)),
            pl.BlockSpec((dh, D), full),
            pl.BlockSpec((1, D), full),
        ],
        out_specs=pl.BlockSpec((_TBD, D), lambda i: (i, 0)),
    )
    return pl.pallas_call(
        _decode_body,
        grid_spec=grid_spec,
        out_shape=jax.ShapeDtypeStruct((T, D), jnp.float32),
    )(h2q, W4.T, b4.reshape(1, -1))


def kernel(x, W1, b1, W2, b2, codebook, W3, b3, W4, b4):
    B, N, D = x.shape
    T = B * N
    x2 = x.reshape(T, D)
    idx_flat, loss, h2cb = _encode(x2, W1, b1, W2, b2, codebook, W3, b3)
    h2q = _sc_gather(h2cb, idx_flat)
    xrec = _decode(h2q, W4, b4)
    return (xrec.reshape(B, N, D), idx_flat.reshape(B, N), loss.reshape(()))

# --- scband reference (transcript-rebuilt; emitter-appended) ---
"""Pipeline reference for scband-simple-vqvae-11476152615192 (READ-ONLY COPY).

The authoritative reference and input builder live on the scoring server;
editing this copy changes nothing except your own understanding.
"""

import jax, jax.numpy as jnp
import numpy as np

B, N, D_MODEL = 32, 576, 768
CB_SIZE, CB_DIM = 512, 64

def _gelu(x):
    return jax.nn.gelu(x, approximate=False)

def setup_inputs(seed: int = 0) -> dict:
    key = jax.random.key(seed)
    ks = jax.random.split(key, 10)
    x = jax.random.normal(ks[0], (B, N, D_MODEL), dtype=jnp.float32)
    s = 0.02
    W1 = jax.random.normal(ks[1], (CB_DIM * 2, D_MODEL), dtype=jnp.float32) * s
    b1 = jnp.zeros((CB_DIM * 2,), dtype=jnp.float32)
    W2 = jax.random.normal(ks[2], (CB_DIM, CB_DIM * 2), dtype=jnp.float32) * s
    b2 = jnp.zeros((CB_DIM,), dtype=jnp.float32)
    codebook = jax.random.uniform(ks[3], (CB_SIZE, CB_DIM), dtype=jnp.float32, minval=-1.0 / CB_SIZE, maxval=1.0 / CB_SIZE)
    W3 = jax.random.normal(ks[4], (CB_DIM * 2, CB_DIM), dtype=jnp.float32) * s
    b3 = jnp.zeros((CB_DIM * 2,), dtype=jnp.float32)
    W4 = jax.random.normal(ks[5], (D_MODEL, CB_DIM * 2), dtype=jnp.float32) * s
    b4 = jnp.zeros((D_MODEL,), dtype=jnp.float32)
    return {"x": x, "W1": W1, "b1": b1, "W2": W2, "b2": b2, "codebook": codebook, "W3": W3, "b3": b3, "W4": W4, "b4": b4}

def reference(x, W1, b1, W2, b2, codebook, W3, b3, W4, b4):
    # encoder
    h = _gelu(x @ W1.T + b1)
    z = h @ W2.T + b2  # (B, N, CB_DIM)
    Bq, Nq, D = z.shape
    flat_z = z.reshape(-1, D)
    distances = (jnp.sum(flat_z ** 2, axis=1, keepdims=True)
                 + jnp.sum(codebook ** 2, axis=1, keepdims=True).T
                 - 2.0 * flat_z @ codebook.T)
    indices = jnp.argmin(distances, axis=-1)
    z_q = jnp.take(codebook, indices, axis=0).reshape(Bq, Nq, D)
    codebook_loss = jnp.mean((jax.lax.stop_gradient(z_q) - z) ** 2)
    embedding_loss = jnp.mean((z_q - jax.lax.stop_gradient(z)) ** 2)
    vq_loss = codebook_loss + 0.25 * embedding_loss
    z_q = z + jax.lax.stop_gradient(z_q - z)
    indices = indices.reshape(Bq, Nq)
    # decoder
    h2 = _gelu(z_q @ W3.T + b3)
    x_reconstructed = h2 @ W4.T + b4
    return (x_reconstructed, indices, vq_loss)

if __name__ == "__main__":
    import jax
    _d = setup_inputs()
    print(jax.jit(kernel)(*tuple(_d.values())))

</pallas_src>

<mosaic_0001>
#map = affine_map<(d0, d1) -> (0, 0)>
#map1 = affine_map<(d0, d1) -> (0)>
module attributes {stable_mosaic.version = 14 : i64} {
  func.func @gather(%arg0: i32, %arg1: i32, %arg2: memref<512x128xf32, #tpu.memory_space<hbm>>, %arg3: memref<18432xi32, #tpu.memory_space<hbm>>, %arg4: memref<18432x128xf32, #tpu.memory_space<hbm>>, %arg5: memref<576xi32, #tpu.memory_space<vmem>>, %arg6: memref<576x128xf32, #tpu.memory_space<vmem>>, %arg7: memref<!tpu.dma_semaphore, #tpu.memory_space<semaphore_mem>>) attributes {dimension_semantics = [#tpu.dimension_semantics<core_parallel>, #tpu.dimension_semantics<subcore_parallel>], iteration_bounds = array<i64: 2, 16>, scalar_prefetch = 0 : i64, scratch_operands = 3 : i64, tpu.core_type = #tpu.core_type<sc_vector_subcore>, window_params = [{transform_indices = #map}, {transform_indices = #map1}, {transform_indices = #map}]} {
    %mul3A = arith.constant 2 : i32
    %mul3A_0 = arith.muli %arg1, %mul3A : i32
    %add3A = arith.addi %mul3A_0, %arg0 : i32
    %mul3A_1 = arith.constant 576 : i32
    %mul3A_2 = arith.muli %add3A, %mul3A_1 : i32
    "tpu.region"() ({
      %run_scoped3A = tpu.sem_alloc : memref<!tpu.dma_semaphore, #tpu.memory_space<semaphore_mem>>
      %dma_start3A_7 = tpu.memref_slice %arg3[%mul3A_2] : memref<18432xi32, #tpu.memory_space<hbm>> -> memref<576xi32, #tpu.memory_space<hbm>>
      %dma_start3A_8 = tpu.memref_slice %arg3[%mul3A_2] : memref<18432xi32, #tpu.memory_space<hbm>> -> memref<576xi32, #tpu.memory_space<hbm>>
      tpu.enqueue_dma source(%dma_start3A_8 : memref<576xi32, #tpu.memory_space<hbm>>) target(%arg5 : memref<576xi32, #tpu.memory_space<vmem>>) target_semaphore(%run_scoped3A : memref<!tpu.dma_semaphore, #tpu.memory_space<semaphore_mem>>)
      %dma_wait3A_9 = tpu.memref_slice %arg3[%mul3A_2] : memref<18432xi32, #tpu.memory_space<hbm>> -> memref<576xi32, #tpu.memory_space<hbm>>
      %dma_wait3A_10 = tpu.memref_slice %arg3[%mul3A_2] : memref<18432xi32, #tpu.memory_space<hbm>> -> memref<576xi32, #tpu.memory_space<hbm>>
      tpu.wait_dma2 semaphore(%run_scoped3A : memref<!tpu.dma_semaphore, #tpu.memory_space<semaphore_mem>>) src(%dma_wait3A_10 : memref<576xi32, #tpu.memory_space<hbm>>) dst(%arg5 : memref<576xi32, #tpu.memory_space<vmem>>)
      tpu.yield
    }) : () -> ()
    %dma_start3A = arith.constant 0 : i32
    %dma_start3A_3 = arith.constant 0 : i32
    %dma_start3A_4 = tpu.memref_slice %arg2[%dma_start3A, %dma_start3A_3] : memref<512x128xf32, #tpu.memory_space<hbm>> -> memref<512x128xf32, #tpu.memory_space<hbm>>
    tpu.enqueue_indirect_dma source(%dma_start3A_4 : memref<512x128xf32, #tpu.memory_space<hbm>>) target(%arg6 : memref<576x128xf32, #tpu.memory_space<vmem>>) offsets(%arg5 : memref<576xi32, #tpu.memory_space<vmem>>) semaphore(%arg7 : memref<!tpu.dma_semaphore, #tpu.memory_space<semaphore_mem>>)
    %dma_wait3A = arith.constant 0 : i32
    %dma_wait3A_5 = arith.constant 0 : i32
    %dma_wait3A_6 = tpu.memref_slice %arg2[%dma_wait3A, %dma_wait3A_5] : memref<512x128xf32, #tpu.memory_space<hbm>> -> memref<512x128xf32, #tpu.memory_space<hbm>>
    tpu.wait_indirect_dma semaphore(%arg7 : memref<!tpu.dma_semaphore, #tpu.memory_space<semaphore_mem>>) src(%dma_wait3A_6 : memref<512x128xf32, #tpu.memory_space<hbm>>) dst(%arg6 : memref<576x128xf32, #tpu.memory_space<vmem>>)
    "tpu.region"() ({
      %run_scoped3A = tpu.sem_alloc : memref<!tpu.dma_semaphore, #tpu.memory_space<semaphore_mem>>
      %dma_start3A_7 = arith.constant 0 : i32
      %dma_start3A_8 = tpu.memref_slice %arg4[%mul3A_2, %dma_start3A_7] : memref<18432x128xf32, #tpu.memory_space<hbm>> -> memref<576x128xf32, #tpu.memory_space<hbm>>
      %dma_start3A_9 = arith.constant 0 : i32
      %dma_start3A_10 = tpu.memref_slice %arg4[%mul3A_2, %dma_start3A_9] : memref<18432x128xf32, #tpu.memory_space<hbm>> -> memref<576x128xf32, #tpu.memory_space<hbm>>
      tpu.enqueue_dma source(%arg6 : memref<576x128xf32, #tpu.memory_space<vmem>>) target(%dma_start3A_10 : memref<576x128xf32, #tpu.memory_space<hbm>>) target_semaphore(%run_scoped3A : memref<!tpu.dma_semaphore, #tpu.memory_space<semaphore_mem>>)
      %dma_wait3A_11 = arith.constant 0 : i32
      %dma_wait3A_12 = tpu.memref_slice %arg4[%mul3A_2, %dma_wait3A_11] : memref<18432x128xf32, #tpu.memory_space<hbm>> -> memref<576x128xf32, #tpu.memory_space<hbm>>
      %dma_wait3A_13 = arith.constant 0 : i32
      %dma_wait3A_14 = tpu.memref_slice %arg4[%mul3A_2, %dma_wait3A_13] : memref<18432x128xf32, #tpu.memory_space<hbm>> -> memref<576x128xf32, #tpu.memory_space<hbm>>
      tpu.wait_dma2 semaphore(%run_scoped3A : memref<!tpu.dma_semaphore, #tpu.memory_space<semaphore_mem>>) src(%arg6 : memref<576x128xf32, #tpu.memory_space<vmem>>) dst(%dma_wait3A_14 : memref<576x128xf32, #tpu.memory_space<hbm>>)
      tpu.yield
    }) : () -> ()
    return
  }
}

module attributes {stable_mosaic.version = 14 : i64} {
  func.func @_encode_body(%arg0: i32, %arg1: memref<4608x768xf32, #tpu.memory_space<vmem>>, %arg2: memref<768x128xf32, #tpu.memory_space<vmem>>, %arg3: memref<1x128xf32, #tpu.memory_space<vmem>>, %arg4: memref<128x64xf32, #tpu.memory_space<vmem>>, %arg5: memref<1x64xf32, #tpu.memory_space<vmem>>, %arg6: memref<64x512xf32, #tpu.memory_space<vmem>>, %arg7: memref<1x512xf32, #tpu.memory_space<vmem>>, %arg8: memref<512x64xf32, #tpu.memory_space<vmem>>, %arg9: memref<64x128xf32, #tpu.memory_space<vmem>>, %arg10: memref<1x128xf32, #tpu.memory_space<vmem>>, %arg11: memref<1x1x4608xi32, #tpu.memory_space<vmem>>, %arg12: memref<1x1xf32, #tpu.memory_space<vmem>>, %arg13: memref<512x128xf32, #tpu.memory_space<vmem>>) attributes {dimension_semantics = [#tpu.dimension_semantics<arbitrary>], iteration_bounds = array<i64: 4>, scalar_prefetch = 0 : i64, scratch_operands = 0 : i64, tpu.core_type = #tpu.core_type<tc>, window_params = [{transform_indices = @transform_0, window_bounds = array<i64: 4608, 768>}, {pipeline_mode = #tpu.pipeline_mode<synchronous>, transform_indices = @transform_1, window_bounds = array<i64: 768, 128>}, {pipeline_mode = #tpu.pipeline_mode<synchronous>, transform_indices = @transform_2, window_bounds = array<i64: 1, 128>}, {pipeline_mode = #tpu.pipeline_mode<synchronous>, transform_indices = @transform_3, window_bounds = array<i64: 128, 64>}, {pipeline_mode = #tpu.pipeline_mode<synchronous>, transform_indices = @transform_4, window_bounds = array<i64: 1, 64>}, {pipeline_mode = #tpu.pipeline_mode<synchronous>, transform_indices = @transform_5, window_bounds = array<i64: 64, 512>}, {pipeline_mode = #tpu.pipeline_mode<synchronous>, transform_indices = @transform_6, window_bounds = array<i64: 1, 512>}, {pipeline_mode = #tpu.pipeline_mode<synchronous>, transform_indices = @transform_7, window_bounds = array<i64: 512, 64>}, {pipeline_mode = #tpu.pipeline_mode<synchronous>, transform_indices = @transform_8, window_bounds = array<i64: 64, 128>}, {pipeline_mode = #tpu.pipeline_mode<synchronous>, transform_indices = @transform_9, window_bounds = array<i64: 1, 128>}, {transform_indices = @transform_10, window_bounds = array<i64: 1, 1, 4608>}, {pipeline_mode = #tpu.pipeline_mode<synchronous>, transform_indices = @transform_11, window_bounds = array<i64: 1, 1>}, {pipeline_mode = #tpu.pipeline_mode<synchronous>, transform_indices = @transform_12, window_bounds = array<i64: 512, 128>}]} {
    %eq3A = arith.constant 0 : i32
    %eq3A_0 = arith.cmpi eq, %arg0, %eq3A : i32
    %convert_element_type3A = arith.extui %eq3A_0 : i1 to i32
    %cond3A = arith.constant 0 : i32
    %cond3A_1 = arith.cmpi ne, %convert_element_type3A, %cond3A : i32
    scf.if %cond3A_1 {
      %get3A_690 = arith.constant 0 : index
      %get3A_691 = arith.constant 0 : index
      %get3A_692 = vector.load %arg8[%get3A_690, %get3A_691] : memref<512x64xf32, #tpu.memory_space<vmem>>, vector<512x64xf32>
      %get3A_693 = arith.constant 0 : index
      %get3A_694 = arith.constant 0 : index
      %get3A_695 = vector.load %arg9[%get3A_693, %get3A_694] : memref<64x128xf32, #tpu.memory_space<vmem>>, vector<64x128xf32>
      %dot_general3A_696 = arith.constant dense<0.000000e+00> : vector<512x128xf32>
      %dot_general3A_697 = tpu.matmul %get3A_692, %get3A_695, %dot_general3A_696 {dimension_numbers = #tpu.dot_dimension_numbers<[1], [0], [0], [1], [0, 0, 1, 1], [], []>, transpose_lhs_hint = false} : vector<512x64xf32>, vector<64x128xf32>, vector<512x128xf32> -> vector<512x128xf32>
      %get3A_698 = arith.constant 0 : index
      %get3A_699 = arith.constant 0 : index
      %get3A_700 = vector.load %arg10[%get3A_698, %get3A_699] : memref<1x128xf32, #tpu.memory_space<vmem>>, vector<1x128xf32>
      %add3A_701 = vector.broadcast %get3A_700 : vector<1x128xf32> to vector<512x128xf32>
      %add3A_702 = arith.addf %dot_general3A_697, %add3A_701 : vector<512x128xf32>
      %mul3A_703 = arith.constant 5.000000e-01 : f32
      %mul3A_704 = vector.broadcast %mul3A_703 : f32 to vector<512x128xf32>
      %mul3A_705 = arith.mulf %mul3A_704, %add3A_702 : vector<512x128xf32>
      %mul3A_706 = arith.constant 0.707106769 : f32
      %mul3A_707 = vector.broadcast %mul3A_706 : f32 to vector<512x128xf32>
      %mul3A_708 = arith.mulf %add3A_702, %mul3A_707 : vector<512x128xf32>
      %erf3A_709 = math.erf %mul3A_708 : vector<512x128xf32>
      %add3A_710 = arith.constant 1.000000e+00 : f32
      %add3A_711 = vector.broadcast %add3A_710 : f32 to vector<512x128xf32>
      %add3A_712 = arith.addf %add3A_711, %erf3A_709 : vector<512x128xf32>
      %mul3A_713 = arith.mulf %mul3A_705, %add3A_712 : vector<512x128xf32>
      %swap3A_714 = arith.constant 0 : index
      %swap3A_715 = arith.constant 0 : index
      %swap3A_716 = vector.load %arg13[%swap3A_714, %swap3A_715] : memref<512x128xf32, #tpu.memory_space<vmem>>, vector<512x128xf32>
      tpu.vector_store %arg13[%swap3A_714, %swap3A_715], %mul3A_713 {strides = array<i32>} : memref<512x128xf32, #tpu.memory_space<vmem>>, vector<512x128xf32>,
    } else {
    }
    %get3A = arith.constant 0 : index
    %get3A_2 = arith.constant 0 : index
    %get3A_3 = vector.load %arg1[%get3A, %get3A_2] : memref<4608x768xf32, #tpu.memory_space<vmem>>, vector<512x768xf32>
    %get3A_4 = arith.constant 0 : index
    %get3A_5 = arith.constant 0 : index
    %get3A_6 = vector.load %arg2[%get3A_4, %get3A_5] : memref<768x128xf32, #tpu.memory_space<vmem>>, vector<768x128xf32>
    %dot_general3A = arith.constant dense<0.000000e+00> : vector<512x128xf32>
    %dot_general3A_7 = tpu.matmul %get3A_3, %get3A_6, %dot_general3A {dimension_numbers = #tpu.dot_dimension_numbers<[1], [0], [0], [1], [0, 0, 1, 1], [], []>, transpose_lhs_hint = false} : vector<512x768xf32>, vector<768x128xf32>, vector<512x128xf32> -> vector<512x128xf32>
    %get3A_8 = arith.constant 0 : index
    %get3A_9 = arith.constant 0 : index
    %get3A_10 = vector.load %arg3[%get3A_8, %get3A_9] : memref<1x128xf32, #tpu.memory_space<vmem>>, vector<1x128xf32>
    %add3A = vector.broadcast %get3A_10 : vector<1x128xf32> to vector<512x128xf32>
    %add3A_11 = arith.addf %dot_general3A_7, %add3A : vector<512x128xf32>
    %mul3A = arith.constant 5.000000e-01 : f32
    %mul3A_12 = vector.broadcast %mul3A : f32 to vector<512x128xf32>
    %mul3A_13 = arith.mulf %mul3A_12, %add3A_11 : vector<512x128xf32>
    %mul3A_14 = arith.constant 0.707106769 : f32
    %mul3A_15 = vector.broadcast %mul3A_14 : f32 to vector<512x128xf32>
    %mul3A_16 = arith.mulf %add3A_11, %mul3A_15 : vector<512x128xf32>
    %erf3A = math.erf %mul3A_16 : vector<512x128xf32>
    %add3A_17 = arith.constant 1.000000e+00 : f32
    %add3A_18 = vector.broadcast %add3A_17 : f32 to vector<512x128xf32>
    %add3A_19 = arith.addf %add3A_18, %erf3A : vector<512x128xf32>
    %mul3A_20 = arith.mulf %mul3A_13, %add3A_19 : vector<512x128xf32>
    %get3A_21 = arith.constant 0 : index
    %get3A_22 = arith.constant 0 : index
    %get3A_23 = vector.load %arg4[%get3A_21, %get3A_22] : memref<128x64xf32, #tpu.memory_space<vmem>>, vector<128x64xf32>
    %dot_general3A_24 = arith.constant dense<0.000000e+00> : vector<512x64xf32>
    %dot_general3A_25 = tpu.matmul %mul3A_20, %get3A_23, %dot_general3A_24 {dimension_numbers = #tpu.dot_dimension_numbers<[1], [0], [0], [1], [0, 0, 1, 1], [], []>, transpose_lhs_hint = false} : vector<512x128xf32>, vector<128x64xf32>, vector<512x64xf32> -> vector<512x64xf32>
    %get3A_26 = arith.constant 0 : index
    %get3A_27 = arith.constant 0 : index
    %get3A_28 = vector.load %arg5[%get3A_26, %get3A_27] : memref<1x64xf32, #tpu.memory_space<vmem>>, vector<1x64xf32>
    %add3A_29 = vector.broadcast %get3A_28 : vector<1x64xf32> to vector<512x64xf32>
    %add3A_30 = arith.addf %dot_general3A_25, %add3A_29 : vector<512x64xf32>
    %mul3A_31 = arith.mulf %add3A_30, %add3A_30 : vector<512x64xf32>
    %reduce_sum3A = arith.constant dense<0.000000e+00> : vector<512xf32>
    %reduce_sum3A_32 = vector.multi_reduction <add>, %mul3A_31, %reduce_sum3A [1] : vector<512x64xf32> to vector<512xf32>
    %broadcast_in_dim3A = vector.shape_cast %reduce_sum3A_32 : vector<512xf32> to vector<512x1xf32>
    %mul3A_33 = arith.constant 2.000000e+00 : f32
    %mul3A_34 = vector.broadcast %mul3A_33 : f32 to vector<512x64xf32>
    %mul3A_35 = arith.mulf %mul3A_34, %add3A_30 : vector<512x64xf32>
    %get3A_36 = arith.constant 0 : index
    %get3A_37 = arith.constant 0 : index
    %get3A_38 = vector.load %arg6[%get3A_36, %get3A_37] : memref<64x512xf32, #tpu.memory_space<vmem>>, vector<64x512xf32>
    %dot_general3A_39 = arith.constant dense<0.000000e+00> : vector<512x512xf32>
    %dot_general3A_40 = tpu.matmul %mul3A_35, %get3A_38, %dot_general3A_39 {dimension_numbers = #tpu.dot_dimension_numbers<[1], [0], [0], [1], [0, 0, 1, 1], [], []>, transpose_lhs_hint = false} : vector<512x64xf32>, vector<64x512xf32>, vector<512x512xf32> -> vector<512x512xf32>
    %get3A_41 = arith.constant 0 : index
    %get3A_42 = arith.constant 0 : index
    %get3A_43 = vector.load %arg7[%get3A_41, %get3A_42] : memref<1x512xf32, #tpu.memory_space<vmem>>, vector<1x512xf32>
    %add3A_44 = vector.broadcast %broadcast_in_dim3A : vector<512x1xf32> to vector<512x512xf32>
    %add3A_45 = vector.broadcast %get3A_43 : vector<1x512xf32> to vector<512x512xf32>
    %add3A_46 = arith.addf %add3A_44, %add3A_45 : vector<512x512xf32>
    %sub3A = arith.subf %add3A_46, %dot_general3A_40 : vector<512x512xf32>
    %reduce_min3A = arith.constant dense<0x7F800000> : vector<512xf32>
    %reduce_min3A_47 = vector.multi_reduction <minimumf>, %sub3A, %reduce_min3A [1] : vector<512x512xf32> to vector<512xf32>
    %broadcast_in_dim3A_48 = vector.shape_cast %reduce_min3A_47 : vector<512xf32> to vector<512x1xf32>
    %iota3A = tpu.iota {dimensions = array<i32: 1>} : vector<512x512xi32>
    %le3A = vector.broadcast %broadcast_in_dim3A_48 : vector<512x1xf32> to vector<512x512xf32>
    %le3A_49 = arith.cmpf ole, %sub3A, %le3A : vector<512x512xf32>
    %jit3A = arith.constant 512 : i32
    %broadcast_in_dim3A_50 = vector.broadcast %jit3A : i32 to vector<512x512xi32>
    %select_n3A = arith.select %le3A_49, %iota3A, %broadcast_in_dim3A_50 : vector<512x512xi1>, vector<512x512xi32>
    %reduce_min3A_51 = arith.constant dense<2147483647> : vector<512xi32>
    %reduce_min3A_52 = vector.multi_reduction <minsi>, %select_n3A, %reduce_min3A_51 [1] : vector<512x512xi32> to vector<512xi32>
    %swap3A = arith.constant 0 : index
    %swap3A_53 = arith.constant 0 : index
    %swap3A_54 = arith.constant 0 : index
    %swap3A_55 = vector.load %arg11[%swap3A, %swap3A_53, %swap3A_54] : memref<1x1x4608xi32, #tpu.memory_space<vmem>>, vector<1x1x512xi32>
    %swap3A_56 = vector.shape_cast %swap3A_55 : vector<1x1x512xi32> to vector<512xi32>
    %swap3A_57 = vector.shape_cast %reduce_min3A_52 : vector<512xi32> to vector<1x1x512xi32>
    tpu.vector_store %arg11[%swap3A, %swap3A_53, %swap3A_54], %swap3A_57 {strides = array<i32>} : memref<1x1x4608xi32, #tpu.memory_space<vmem>>, vector<1x1x512xi32>,
    %reduce_sum3A_58 = vector.shape_cast %broadcast_in_dim3A_48 : vector<512x1xf32> to vector<1x512x1xf32>
    %reduce_sum3A_59 = arith.constant dense<0.000000e+00> : vector<1xf32>
    %reduce_sum3A_60 = vector.multi_reduction <add>, %reduce_sum3A_58, %reduce_sum3A_59 [1, 2] : vector<1x512x1xf32> to vector<1xf32>
    %reduce_sum3A_61 = vector.shape_cast %reduce_sum3A_60 : vector<1xf32> to vector<1x1x1xf32>
    %reduce_sum3A_62 = vector.extract %reduce_sum3A_61[0, 0, 0] : f32 from vector<1x1x1xf32>
    %get3A_63 = arith.constant 512 : index
    %get3A_64 = arith.constant 0 : index
    %get3A_65 = vector.load %arg1[%get3A_63, %get3A_64] : memref<4608x768xf32, #tpu.memory_space<vmem>>, vector<512x768xf32>
    %get3A_66 = arith.constant 0 : index
    %get3A_67 = arith.constant 0 : index
    %get3A_68 = vector.load %arg2[%get3A_66, %get3A_67] : memref<768x128xf32, #tpu.memory_space<vmem>>, vector<768x128xf32>
    %dot_general3A_69 = arith.constant dense<0.000000e+00> : vector<512x128xf32>
    %dot_general3A_70 = tpu.matmul %get3A_65, %get3A_68, %dot_general3A_69 {dimension_numbers = #tpu.dot_dimension_numbers<[1], [0], [0], [1], [0, 0, 1, 1], [], []>, transpose_lhs_hint = false} : vector<512x768xf32>, vector<768x128xf32>, vector<512x128xf32> -> vector<512x128xf32>
    %get3A_71 = arith.constant 0 : index
    %get3A_72 = arith.constant 0 : index
    %get3A_73 = vector.load %arg3[%get3A_71, %get3A_72] : memref<1x128xf32, #tpu.memory_space<vmem>>, vector<1x128xf32>
    %add3A_74 = vector.broadcast %get3A_73 : vector<1x128xf32> to vector<512x128xf32>
    %add3A_75 = arith.addf %dot_general3A_70, %add3A_74 : vector<512x128xf32>
    %mul3A_76 = arith.constant 5.000000e-01 : f32
    %mul3A_77 = vector.broadcast %mul3A_76 : f32 to vector<512x128xf32>
    %mul3A_78 = arith.mulf %mul3A_77, %add3A_75 : vector<512x128xf32>
    %mul3A_79 = arith.constant 0.707106769 : f32
    %mul3A_80 = vector.broadcast %mul3A_79 : f32 to vector<512x128xf32>
    %mul3A_81 = arith.mulf %add3A_75, %mul3A_80 : vector<512x128xf32>
    %erf3A_82 = math.erf %mul3A_81 : vector<512x128xf32>
    %add3A_83 = arith.constant 1.000000e+00 : f32
    %add3A_84 = vector.broadcast %add3A_83 : f32 to vector<512x128xf32>
    %add3A_85 = arith.addf %add3A_84, %erf3A_82 : vector<512x128xf32>
    %mul3A_86 = arith.mulf %mul3A_78, %add3A_85 : vector<512x128xf32>
    %get3A_87 = arith.constant 0 : index
    %get3A_88 = arith.constant 0 : index
    %get3A_89 = vector.load %arg4[%get3A_87, %get3A_88] : memref<128x64xf32, #tpu.memory_space<vmem>>, vector<128x64xf32>
    %dot_general3A_90 = arith.constant dense<0.000000e+00> : vector<512x64xf32>
    %dot_general3A_91 = tpu.matmul %mul3A_86, %get3A_89, %dot_general3A_90 {dimension_numbers = #tpu.dot_dimension_numbers<[1], [0], [0], [1], [0, 0, 1, 1], [], []>, transpose_lhs_hint = false} : vector<512x128xf32>, vector<128x64xf32>, vector<512x64xf32> -> vector<512x64xf32>
    %get3A_92 = arith.constant 0 : index
    %get3A_93 = arith.constant 0 : index
    %get3A_94 = vector.load %arg5[%get3A_92, %get3A_93] : memref<1x64xf32, #tpu.memory_space<vmem>>, vector<1x64xf32>
    %add3A_95 = vector.broadcast %get3A_94 : vector<1x64xf32> to vector<512x64xf32>
    %add3A_96 = arith.addf %dot_general3A_91, %add3A_95 : vector<512x64xf32>
    %mul3A_97 = arith.mulf %add3A_96, %add3A_96 : vector<512x64xf32>
    %reduce_sum3A_98 = arith.constant dense<0.000000e+00> : vector<512xf32>
    %reduce_sum3A_99 = vector.multi_reduction <add>, %mul3A_97, %reduce_sum3A_98 [1] : vector<512x64xf32> to vector<512xf32>
    %broadcast_in_dim3A_100 = vector.shape_cast %reduce_sum3A_99 : vector<512xf32> to vector<512x1xf32>
    %mul3A_101 = arith.constant 2.000000e+00 : f32
    %mul3A_102 = vector.broadcast %mul3A_101 : f32 to vector<512x64xf32>
    %mul3A_103 = arith.mulf %mul3A_102, %add3A_96 : vector<512x64xf32>
    %get3A_104 = arith.constant 0 : index
    %get3A_105 = arith.constant 0 : index
    %get3A_106 = vector.load %arg6[%get3A_104, %get3A_105] : memref<64x512xf32, #tpu.memory_space<vmem>>, vector<64x512xf32>
    %dot_general3A_107 = arith.constant dense<0.000000e+00> : vector<512x512xf32>
    %dot_general3A_108 = tpu.matmul %mul3A_103, %get3A_106, %dot_general3A_107 {dimension_numbers = #tpu.dot_dimension_numbers<[1], [0], [0], [1], [0, 0, 1, 1], [], []>, transpose_lhs_hint = false} : vector<512x64xf32>, vector<64x512xf32>, vector<512x512xf32> -> vector<512x512xf32>
    %get3A_109 = arith.constant 0 : index
    %get3A_110 = arith.constant 0 : index
    %get3A_111 = vector.load %arg7[%get3A_109, %get3A_110] : memref<1x512xf32, #tpu.memory_space<vmem>>, vector<1x512xf32>
    %add3A_112 = vector.broadcast %broadcast_in_dim3A_100 : vector<512x1xf32> to vector<512x512xf32>
    %add3A_113 = vector.broadcast %get3A_111 : vector<1x512xf32> to vector<512x512xf32>
    %add3A_114 = arith.addf %add3A_112, %add3A_113 : vector<512x512xf32>
    %sub3A_115 = arith.subf %add3A_114, %dot_general3A_108 : vector<512x512xf32>
    %reduce_min3A_116 = arith.constant dense<0x7F800000> : vector<512xf32>
    %reduce_min3A_117 = vector.multi_reduction <minimumf>, %sub3A_115, %reduce_min3A_116 [1] : vector<512x512xf32> to vector<512xf32>
    %broadcast_in_dim3A_118 = vector.shape_cast %reduce_min3A_117 : vector<512xf32> to vector<512x1xf32>
    %iota3A_119 = tpu.iota {dimensions = array<i32: 1>} : vector<512x512xi32>
    %le3A_120 = vector.broadcast %broadcast_in_dim3A_118 : vector<512x1xf32> to vector<512x512xf32>
    %le3A_121 = arith.cmpf ole, %sub3A_115, %le3A_120 : vector<512x512xf32>
    %jit3A_122 = arith.constant 512 : i32
    %broadcast_in_dim3A_123 = vector.broadcast %jit3A_122 : i32 to vector<512x512xi32>
    %select_n3A_124 = arith.select %le3A_121, %iota3A_119, %broadcast_in_dim3A_123 : vector<512x512xi1>, vector<512x512xi32>
    %reduce_min3A_125 = arith.constant dense<2147483647> : vector<512xi32>
    %reduce_min3A_126 = vector.multi_reduction <minsi>, %select_n3A_124, %reduce_min3A_125 [1] : vector<512x512xi32> to vector<512xi32>
    %swap3A_127 = arith.constant 0 : index
    %swap3A_128 = arith.constant 0 : index
    %swap3A_129 = arith.constant 512 : index
    %swap3A_130 = vector.load %arg11[%swap3A_127, %swap3A_128, %swap3A_129] : memref<1x1x4608xi32, #tpu.memory_space<vmem>>, vector<1x1x512xi32>
    %swap3A_131 = vector.shape_cast %swap3A_130 : vector<1x1x512xi32> to vector<512xi32>
    %swap3A_132 = vector.shape_cast %reduce_min3A_126 : vector<512xi32> to vector<1x1x512xi32>
    tpu.vector_store %arg11[%swap3A_127, %swap3A_128, %swap3A_129], %swap3A_132 {strides = array<i32>} : memref<1x1x4608xi32, #tpu.memory_space<vmem>>, vector<1x1x512xi32>,
    %reduce_sum3A_133 = vector.shape_cast %broadcast_in_dim3A_118 : vector<512x1xf32> to vector<1x512x1xf32>
    %reduce_sum3A_134 = arith.constant dense<0.000000e+00> : vector<1xf32>
    %reduce_sum3A_135 = vector.multi_reduction <add>, %reduce_sum3A_133, %reduce_sum3A_134 [1, 2] : vector<1x512x1xf32> to vector<1xf32>
    %reduce_sum3A_136 = vector.shape_cast %reduce_sum3A_135 : vector<1xf32> to vector<1x1x1xf32>
    %reduce_sum3A_137 = vector.extract %reduce_sum3A_136[0, 0, 0] : f32 from vector<1x1x1xf32>
    %get3A_138 = arith.constant 1024 : index
    %get3A_139 = arith.constant 0 : index
    %get3A_140 = vector.load %arg1[%get3A_138, %get3A_139] : memref<4608x768xf32, #tpu.memory_space<vmem>>, vector<512x768xf32>
    %get3A_141 = arith.constant 0 : index
    %get3A_142 = arith.constant 0 : index
    %get3A_143 = vector.load %arg2[%get3A_141, %get3A_142] : memref<768x128xf32, #tpu.memory_space<vmem>>, vector<768x128xf32>
    %dot_general3A_144 = arith.constant dense<0.000000e+00> : vector<512x128xf32>
    %dot_general3A_145 = tpu.matmul %get3A_140, %get3A_143, %dot_general3A_144 {dimension_numbers = #tpu.dot_dimension_numbers<[1], [0], [0], [1], [0, 0, 1, 1], [], []>, transpose_lhs_hint = false} : vector<512x768xf32>, vector<768x128xf32>, vector<512x128xf32> -> vector<512x128xf32>
    %get3A_146 = arith.constant 0 : index
    %get3A_147 = arith.constant 0 : index
    %get3A_148 = vector.load %arg3[%get3A_146, %get3A_147] : memref<1x128xf32, #tpu.memory_space<vmem>>, vector<1x128xf32>
    %add3A_149 = vector.broadcast %get3A_148 : vector<1x128xf32> to vector<512x128xf32>
    %add3A_150 = arith.addf %dot_general3A_145, %add3A_149 : vector<512x128xf32>
    %mul3A_151 = arith.constant 5.000000e-01 : f32
    %mul3A_152 = vector.broadcast %mul3A_151 : f32 to vector<512x128xf32>
    %mul3A_153 = arith.mulf %mul3A_152, %add3A_150 : vector<512x128xf32>
    %mul3A_154 = arith.constant 0.707106769 : f32
    %mul3A_155 = vector.broadcast %mul3A_154 : f32 to vector<512x128xf32>
    %mul3A_156 = arith.mulf %add3A_150, %mul3A_155 : vector<512x128xf32>
    %erf3A_157 = math.erf %mul3A_156 : vector<512x128xf32>
    %add3A_158 = arith.constant 1.000000e+00 : f32
    %add3A_159 = vector.broadcast %add3A_158 : f32 to vector<512x128xf32>
    %add3A_160 = arith.addf %add3A_159, %erf3A_157 : vector<512x128xf32>
    %mul3A_161 = arith.mulf %mul3A_153, %add3A_160 : vector<512x128xf32>
    %get3A_162 = arith.constant 0 : index
    %get3A_163 = arith.constant 0 : index
    %get3A_164 = vector.load %arg4[%get3A_162, %get3A_163] : memref<128x64xf32, #tpu.memory_space<vmem>>, vector<128x64xf32>
    %dot_general3A_165 = arith.constant dense<0.000000e+00> : vector<512x64xf32>
    %dot_general3A_166 = tpu.matmul %mul3A_161, %get3A_164, %dot_general3A_165 {dimension_numbers = #tpu.dot_dimension_numbers<[1], [0], [0], [1], [0, 0, 1, 1], [], []>, transpose_lhs_hint = false} : vector<512x128xf32>, vector<128x64xf32>, vector<512x64xf32> -> vector<512x64xf32>
    %get3A_167 = arith.constant 0 : index
    %get3A_168 = arith.constant 0 : index
    %get3A_169 = vector.load %arg5[%get3A_167, %get3A_168] : memref<1x64xf32, #tpu.memory_space<vmem>>, vector<1x64xf32>
    %add3A_170 = vector.broadcast %get3A_169 : vector<1x64xf32> to vector<512x64xf32>
    %add3A_171 = arith.addf %dot_general3A_166, %add3A_170 : vector<512x64xf32>
    %mul3A_172 = arith.mulf %add3A_171, %add3A_171 : vector<512x64xf32>
    %reduce_sum3A_173 = arith.constant dense<0.000000e+00> : vector<512xf32>
    %reduce_sum3A_174 = vector.multi_reduction <add>, %mul3A_172, %reduce_sum3A_173 [1] : vector<512x64xf32> to vector<512xf32>
    %broadcast_in_dim3A_175 = vector.shape_cast %reduce_sum3A_174 : vector<512xf32> to vector<512x1xf32>
    %mul3A_176 = arith.constant 2.000000e+00 : f32
    %mul3A_177 = vector.broadcast %mul3A_176 : f32 to vector<512x64xf32>
    %mul3A_178 = arith.mulf %mul3A_177, %add3A_171 : vector<512x64xf32>
    %get3A_179 = arith.constant 0 : index
    %get3A_180 = arith.constant 0 : index
    %get3A_181 = vector.load %arg6[%get3A_179, %get3A_180] : memref<64x512xf32, #tpu.memory_space<vmem>>, vector<64x512xf32>
    %dot_general3A_182 = arith.constant dense<0.000000e+00> : vector<512x512xf32>
    %dot_general3A_183 = tpu.matmul %mul3A_178, %get3A_181, %dot_general3A_182 {dimension_numbers = #tpu.dot_dimension_numbers<[1], [0], [0], [1], [0, 0, 1, 1], [], []>, transpose_lhs_hint = false} : vector<512x64xf32>, vector<64x512xf32>, vector<512x512xf32> -> vector<512x512xf32>
    %get3A_184 = arith.constant 0 : index
    %get3A_185 = arith.constant 0 : index
    %get3A_186 = vector.load %arg7[%get3A_184, %get3A_185] : memref<1x512xf32, #tpu.memory_space<vmem>>, vector<1x512xf32>
    %add3A_187 = vector.broadcast %broadcast_in_dim3A_175 : vector<512x1xf32> to vector<512x512xf32>
    %add3A_188 = vector.broadcast %get3A_186 : vector<1x512xf32> to vector<512x512xf32>
    %add3A_189 = arith.addf %add3A_187, %add3A_188 : vector<512x512xf32>
    %sub3A_190 = arith.subf %add3A_189, %dot_general3A_183 : vector<512x512xf32>
    %reduce_min3A_191 = arith.constant dense<0x7F800000> : vector<512xf32>
    %reduce_min3A_192 = vector.multi_reduction <minimumf>, %sub3A_190, %reduce_min3A_191 [1] : vector<512x512xf32> to vector<512xf32>
    %broadcast_in_dim3A_193 = vector.shape_cast %reduce_min3A_192 : vector<512xf32> to vector<512x1xf32>
    %iota3A_194 = tpu.iota {dimensions = array<i32: 1>} : vector<512x512xi32>
    %le3A_195 = vector.broadcast %broadcast_in_dim3A_193 : vector<512x1xf32> to vector<512x512xf32>
    %le3A_196 = arith.cmpf ole, %sub3A_190, %le3A_195 : vector<512x512xf32>
    %jit3A_197 = arith.constant 512 : i32
    %broadcast_in_dim3A_198 = vector.broadcast %jit3A_197 : i32 to vector<512x512xi32>
    %select_n3A_199 = arith.select %le3A_196, %iota3A_194, %broadcast_in_dim3A_198 : vector<512x512xi1>, vector<512x512xi32>
    %reduce_min3A_200 = arith.constant dense<2147483647> : vector<512xi32>
    %reduce_min3A_201 = vector.multi_reduction <minsi>, %select_n3A_199, %reduce_min3A_200 [1] : vector<512x512xi32> to vector<512xi32>
    %swap3A_202 = arith.constant 0 : index
    %swap3A_203 = arith.constant 0 : index
    %swap3A_204 = arith.constant 1024 : index
    %swap3A_205 = vector.load %arg11[%swap3A_202, %swap3A_203, %swap3A_204] : memref<1x1x4608xi32, #tpu.memory_space<vmem>>, vector<1x1x512xi32>
    %swap3A_206 = vector.shape_cast %swap3A_205 : vector<1x1x512xi32> to vector<512xi32>
    %swap3A_207 = vector.shape_cast %reduce_min3A_201 : vector<512xi32> to vector<1x1x512xi32>
    tpu.vector_store %arg11[%swap3A_202, %swap3A_203, %swap3A_204], %swap3A_207 {strides = array<i32>} : memref<1x1x4608xi32, #tpu.memory_space<vmem>>, vector<1x1x512xi32>,
    %reduce_sum3A_208 = vector.shape_cast %broadcast_in_dim3A_193 : vector<512x1xf32> to vector<1x512x1xf32>
    %reduce_sum3A_209 = arith.constant dense<0.000000e+00> : vector<1xf32>
    %reduce_sum3A_210 = vector.multi_reduction <add>, %reduce_sum3A_208, %reduce_sum3A_209 [1, 2] : vector<1x512x1xf32> to vector<1xf32>
    %reduce_sum3A_211 = vector.shape_cast %reduce_sum3A_210 : vector<1xf32> to vector<1x1x1xf32>
    %reduce_sum3A_212 = vector.extract %reduce_sum3A_211[0, 0, 0] : f32 from vector<1x1x1xf32>
    %get3A_213 = arith.constant 1536 : index
    %get3A_214 = arith.constant 0 : index
    %get3A_215 = vector.load %arg1[%get3A_213, %get3A_214] : memref<4608x768xf32, #tpu.memory_space<vmem>>, vector<512x768xf32>
    %get3A_216 = arith.constant 0 : index
    %get3A_217 = arith.constant 0 : index
    %get3A_218 = vector.load %arg2[%get3A_216, %get3A_217] : memref<768x128xf32, #tpu.memory_space<vmem>>, vector<768x128xf32>
    %dot_general3A_219 = arith.constant dense<0.000000e+00> : vector<512x128xf32>
    %dot_general3A_220 = tpu.matmul %get3A_215, %get3A_218, %dot_general3A_219 {dimension_numbers = #tpu.dot_dimension_numbers<[1], [0], [0], [1], [0, 0, 1, 1], [], []>, transpose_lhs_hint = false} : vector<512x768xf32>, vector<768x128xf32>, vector<512x128xf32> -> vector<512x128xf32>
    %get3A_221 = arith.constant 0 : index
    %get3A_222 = arith.constant 0 : index
    %get3A_223 = vector.load %arg3[%get3A_221, %get3A_222] : memref<1x128xf32, #tpu.memory_space<vmem>>, vector<1x128xf32>
    %add3A_224 = vector.broadcast %get3A_223 : vector<1x128xf32> to vector<512x128xf32>
    %add3A_225 = arith.addf %dot_general3A_220, %add3A_224 : vector<512x128xf32>
    %mul3A_226 = arith.constant 5.000000e-01 : f32
    %mul3A_227 = vector.broadcast %mul3A_226 : f32 to vector<512x128xf32>
    %mul3A_228 = arith.mulf %mul3A_227, %add3A_225 : vector<512x128xf32>
    %mul3A_229 = arith.constant 0.707106769 : f32
    %mul3A_230 = vector.broadcast %mul3A_229 : f32 to vector<512x128xf32>
    %mul3A_231 = arith.mulf %add3A_225, %mul3A_230 : vector<512x128xf32>
    %erf3A_232 = math.erf %mul3A_231 : vector<512x128xf32>
    %add3A_233 = arith.constant 1.000000e+00 : f32
    %add3A_234 = vector.broadcast %add3A_233 : f32 to vector<512x128xf32>
    %add3A_235 = arith.addf %add3A_234, %erf3A_232 : vector<512x128xf32>
    %mul3A_236 = arith.mulf %mul3A_228, %add3A_235 : vector<512x128xf32>
    %get3A_237 = arith.constant 0 : index
    %get3A_238 = arith.constant 0 : index
    %get3A_239 = vector.load %arg4[%get3A_237, %get3A_238] : memref<128x64xf32, #tpu.memory_space<vmem>>, vector<128x64xf32>
    %dot_general3A_240 = arith.constant dense<0.000000e+00> : vector<512x64xf32>
    %dot_general3A_241 = tpu.matmul %mul3A_236, %get3A_239, %dot_general3A_240 {dimension_numbers = #tpu.dot_dimension_numbers<[1], [0], [0], [1], [0, 0, 1, 1], [], []>, transpose_lhs_hint = false} : vector<512x128xf32>, vector<128x64xf32>, vector<512x64xf32> -> vector<512x64xf32>
    %get3A_242 = arith.constant 0 : index
    %get3A_243 = arith.constant 0 : index
    %get3A_244 = vector.load %arg5[%get3A_242, %get3A_243] : memref<1x64xf32, #tpu.memory_space<vmem>>, vector<1x64xf32>
    %add3A_245 = vector.broadcast %get3A_244 : vector<1x64xf32> to vector<512x64xf32>
    %add3A_246 = arith.addf %dot_general3A_241, %add3A_245 : vector<512x64xf32>
    %mul3A_247 = arith.mulf %add3A_246, %add3A_246 : vector<512x64xf32>
    %reduce_sum3A_248 = arith.constant dense<0.000000e+00> : vector<512xf32>
    %reduce_sum3A_249 = vector.multi_reduction <add>, %mul3A_247, %reduce_sum3A_248 [1] : vector<512x64xf32> to vector<512xf32>
    %broadcast_in_dim3A_250 = vector.shape_cast %reduce_sum3A_249 : vector<512xf32> to vector<512x1xf32>
    %mul3A_251 = arith.constant 2.000000e+00 : f32
    %mul3A_252 = vector.broadcast %mul3A_251 : f32 to vector<512x64xf32>
    %mul3A_253 = arith.mulf %mul3A_252, %add3A_246 : vector<512x64xf32>
    %get3A_254 = arith.constant 0 : index
    %get3A_255 = arith.constant 0 : index
    %get3A_256 = vector.load %arg6[%get3A_254, %get3A_255] : memref<64x512xf32, #tpu.memory_space<vmem>>, vector<64x512xf32>
    %dot_general3A_257 = arith.constant dense<0.000000e+00> : vector<512x512xf32>
    %dot_general3A_258 = tpu.matmul %mul3A_253, %get3A_256, %dot_general3A_257 {dimension_numbers = #tpu.dot_dimension_numbers<[1], [0], [0], [1], [0, 0, 1, 1], [], []>, transpose_lhs_hint = false} : vector<512x64xf32>, vector<64x512xf32>, vector<512x512xf32> -> vector<512x512xf32>
    %get3A_259 = arith.constant 0 : index
    %get3A_260 = arith.constant 0 : index
    %get3A_261 = vector.load %arg7[%get3A_259, %get3A_260] : memref<1x512xf32, #tpu.memory_space<vmem>>, vector<1x512xf32>
    %add3A_262 = vector.broadcast %broadcast_in_dim3A_250 : vector<512x1xf32> to vector<512x512xf32>
    %add3A_263 = vector.broadcast %get3A_261 : vector<1x512xf32> to vector<512x512xf32>
    %add3A_264 = arith.addf %add3A_262, %add3A_263 : vector<512x512xf32>
    %sub3A_265 = arith.subf %add3A_264, %dot_general3A_258 : vector<512x512xf32>
    %reduce_min3A_266 = arith.constant dense<0x7F800000> : vector<512xf32>
    %reduce_min3A_267 = vector.multi_reduction <minimumf>, %sub3A_265, %reduce_min3A_266 [1] : vector<512x512xf32> to vector<512xf32>
    %broadcast_in_dim3A_268 = vector.shape_cast %reduce_min3A_267 : vector<512xf32> to vector<512x1xf32>
    %iota3A_269 = tpu.iota {dimensions = array<i32: 1>} : vector<512x512xi32>
    %le3A_270 = vector.broadcast %broadcast_in_dim3A_268 : vector<512x1xf32> to vector<512x512xf32>
    %le3A_271 = arith.cmpf ole, %sub3A_265, %le3A_270 : vector<512x512xf32>
    %jit3A_272 = arith.constant 512 : i32
    %broadcast_in_dim3A_273 = vector.broadcast %jit3A_272 : i32 to vector<512x512xi32>
    %select_n3A_274 = arith.select %le3A_271, %iota3A_269, %broadcast_in_dim3A_273 : vector<512x512xi1>, vector<512x512xi32>
    %reduce_min3A_275 = arith.constant dense<2147483647> : vector<512xi32>
    %reduce_min3A_276 = vector.multi_reduction <minsi>, %select_n3A_274, %reduce_min3A_275 [1] : vector<512x512xi32> to vector<512xi32>
    %swap3A_277 = arith.constant 0 : index
    %swap3A_278 = arith.constant 0 : index
    %swap3A_279 = arith.constant 1536 : index
    %swap3A_280 = vector.load %arg11[%swap3A_277, %swap3A_278, %swap3A_279] : memref<1x1x4608xi32, #tpu.memory_space<vmem>>, vector<1x1x512xi32>
    %swap3A_281 = vector.shape_cast %swap3A_280 : vector<1x1x512xi32> to vector<512xi32>
    %swap3A_282 = vector.shape_cast %reduce_min3A_276 : vector<512xi32> to vector<1x1x512xi32>
    tpu.vector_store %arg11[%swap3A_277, %swap3A_278, %swap3A_279], %swap3A_282 {strides = array<i32>} : memref<1x1x4608xi32, #tpu.memory_space<vmem>>, vector<1x1x512xi32>,
    %reduce_sum3A_283 = vector.shape_cast %broadcast_in_dim3A_268 : vector<512x1xf32> to vector<1x512x1xf32>
    %reduce_sum3A_284 = arith.constant dense<0.000000e+00> : vector<1xf32>
    %reduce_sum3A_285 = vector.multi_reduction <add>, %reduce_sum3A_283, %reduce_sum3A_284 [1, 2] : vector<1x512x1xf32> to vector<1xf32>
    %reduce_sum3A_286 = vector.shape_cast %reduce_sum3A_285 : vector<1xf32> to vector<1x1x1xf32>
    %reduce_sum3A_287 = vector.extract %reduce_sum3A_286[0, 0, 0] : f32 from vector<1x1x1xf32>
    %get3A_288 = arith.constant 2048 : index
    %get3A_289 = arith.constant 0 : index
    %get3A_290 = vector.load %arg1[%get3A_288, %get3A_289] : memref<4608x768xf32, #tpu.memory_space<vmem>>, vector<512x768xf32>
    %get3A_291 = arith.constant 0 : index
    %get3A_292 = arith.constant 0 : index
    %get3A_293 = vector.load %arg2[%get3A_291, %get3A_292] : memref<768x128xf32, #tpu.memory_space<vmem>>, vector<768x128xf32>
    %dot_general3A_294 = arith.constant dense<0.000000e+00> : vector<512x128xf32>
    %dot_general3A_295 = tpu.matmul %get3A_290, %get3A_293, %dot_general3A_294 {dimension_numbers = #tpu.dot_dimension_numbers<[1], [0], [0], [1], [0, 0, 1, 1], [], []>, transpose_lhs_hint = false} : vector<512x768xf32>, vector<768x128xf32>, vector<512x128xf32> -> vector<512x128xf32>
    %get3A_296 = arith.constant 0 : index
    %get3A_297 = arith.constant 0 : index
    %get3A_298 = vector.load %arg3[%get3A_296, %get3A_297] : memref<1x128xf32, #tpu.memory_space<vmem>>, vector<1x128xf32>
    %add3A_299 = vector.broadcast %get3A_298 : vector<1x128xf32> to vector<512x128xf32>
    %add3A_300 = arith.addf %dot_general3A_295, %add3A_299 : vector<512x128xf32>
    %mul3A_301 = arith.constant 5.000000e-01 : f32
    %mul3A_302 = vector.broadcast %mul3A_301 : f32 to vector<512x128xf32>
    %mul3A_303 = arith.mulf %mul3A_302, %add3A_300 : vector<512x128xf32>
    %mul3A_304 = arith.constant 0.707106769 : f32
    %mul3A_305 = vector.broadcast %mul3A_304 : f32 to vector<512x128xf32>
    %mul3A_306 = arith.mulf %add3A_300, %mul3A_305 : vector<512x128xf32>
    %erf3A_307 = math.erf %mul3A_306 : vector<512x128xf32>
    %add3A_308 = arith.constant 1.000000e+00 : f32
    %add3A_309 = vector.broadcast %add3A_308 : f32 to vector<512x128xf32>
    %add3A_310 = arith.addf %add3A_309, %erf3A_307 : vector<512x128xf32>
    %mul3A_311 = arith.mulf %mul3A_303, %add3A_310 : vector<512x128xf32>
    %get3A_312 = arith.constant 0 : index
    %get3A_313 = arith.constant 0 : index
    %get3A_314 = vector.load %arg4[%get3A_312, %get3A_313] : memref<128x64xf32, #tpu.memory_space<vmem>>, vector<128x64xf32>
    %dot_general3A_315 = arith.constant dense<0.000000e+00> : vector<512x64xf32>
    %dot_general3A_316 = tpu.matmul %mul3A_311, %get3A_314, %dot_general3A_315 {dimension_numbers = #tpu.dot_dimension_numbers<[1], [0], [0], [1], [0, 0, 1, 1], [], []>, transpose_lhs_hint = false} : vector<512x128xf32>, vector<128x64xf32>, vector<512x64xf32> -> vector<512x64xf32>
    %get3A_317 = arith.constant 0 : index
    %get3A_318 = arith.constant 0 : index
    %get3A_319 = vector.load %arg5[%get3A_317, %get3A_318] : memref<1x64xf32, #tpu.memory_space<vmem>>, vector<1x64xf32>
    %add3A_320 = vector.broadcast %get3A_319 : vector<1x64xf32> to vector<512x64xf32>
    %add3A_321 = arith.addf %dot_general3A_316, %add3A_320 : vector<512x64xf32>
    %mul3A_322 = arith.mulf %add3A_321, %add3A_321 : vector<512x64xf32>
    %reduce_sum3A_323 = arith.constant dense<0.000000e+00> : vector<512xf32>
    %reduce_sum3A_324 = vector.multi_reduction <add>, %mul3A_322, %reduce_sum3A_323 [1] : vector<512x64xf32> to vector<512xf32>
    %broadcast_in_dim3A_325 = vector.shape_cast %reduce_sum3A_324 : vector<512xf32> to vector<512x1xf32>
    %mul3A_326 = arith.constant 2.000000e+00 : f32
    %mul3A_327 = vector.broadcast %mul3A_326 : f32 to vector<512x64xf32>
    %mul3A_328 = arith.mulf %mul3A_327, %add3A_321 : vector<512x64xf32>
    %get3A_329 = arith.constant 0 : index
    %get3A_330 = arith.constant 0 : index
    %get3A_331 = vector.load %arg6[%get3A_329, %get3A_330] : memref<64x512xf32, #tpu.memory_space<vmem>>, vector<64x512xf32>
    %dot_general3A_332 = arith.constant dense<0.000000e+00> : vector<512x512xf32>
    %dot_general3A_333 = tpu.matmul %mul3A_328, %get3A_331, %dot_general3A_332 {dimension_numbers = #tpu.dot_dimension_numbers<[1], [0], [0], [1], [0, 0, 1, 1], [], []>, transpose_lhs_hint = false} : vector<512x64xf32>, vector<64x512xf32>, vector<512x512xf32> -> vector<512x512xf32>
    %get3A_334 = arith.constant 0 : index
    %get3A_335 = arith.constant 0 : index
    %get3A_336 = vector.load %arg7[%get3A_334, %get3A_335] : memref<1x512xf32, #tpu.memory_space<vmem>>, vector<1x512xf32>
    %add3A_337 = vector.broadcast %broadcast_in_dim3A_325 : vector<512x1xf32> to vector<512x512xf32>
    %add3A_338 = vector.broadcast %get3A_336 : vector<1x512xf32> to vector<512x512xf32>
    %add3A_339 = arith.addf %add3A_337, %add3A_338 : vector<512x512xf32>
    %sub3A_340 = arith.subf %add3A_339, %dot_general3A_333 : vector<512x512xf32>
    %reduce_min3A_341 = arith.constant dense<0x7F800000> : vector<512xf32>
    %reduce_min3A_342 = vector.multi_reduction <minimumf>, %sub3A_340, %reduce_min3A_341 [1] : vector<512x512xf32> to vector<512xf32>
    %broadcast_in_dim3A_343 = vector.shape_cast %reduce_min3A_342 : vector<512xf32> to vector<512x1xf32>
    %iota3A_344 = tpu.iota {dimensions = array<i32: 1>} : vector<512x512xi32>
    %le3A_345 = vector.broadcast %broadcast_in_dim3A_343 : vector<512x1xf32> to vector<512x512xf32>
    %le3A_346 = arith.cmpf ole, %sub3A_340, %le3A_345 : vector<512x512xf32>
    %jit3A_347 = arith.constant 512 : i32
    %broadcast_in_dim3A_348 = vector.broadcast %jit3A_347 : i32 to vector<512x512xi32>
    %select_n3A_349 = arith.select %le3A_346, %iota3A_344, %broadcast_in_dim3A_348 : vector<512x512xi1>, vector<512x512xi32>
    %reduce_min3A_350 = arith.constant dense<2147483647> : vector<512xi32>
    %reduce_min3A_351 = vector.multi_reduction <minsi>, %select_n3A_349, %reduce_min3A_350 [1] : vector<512x512xi32> to vector<512xi32>
    %swap3A_352 = arith.constant 0 : index
    %swap3A_353 = arith.constant 0 : index
    %swap3A_354 = arith.constant 2048 : index
    %swap3A_355 = vector.load %arg11[%swap3A_352, %swap3A_353, %swap3A_354] : memref<1x1x4608xi32, #tpu.memory_space<vmem>>, vector<1x1x512xi32>
    %swap3A_356 = vector.shape_cast %swap3A_355 : vector<1x1x512xi32> to vector<512xi32>
    %swap3A_357 = vector.shape_cast %reduce_min3A_351 : vector<512xi32> to vector<1x1x512xi32>
    tpu.vector_store %arg11[%swap3A_352, %swap3A_353, %swap3A_354], %swap3A_357 {strides = array<i32>} : memref<1x1x4608xi32, #tpu.memory_space<vmem>>, vector<1x1x512xi32>,
    %reduce_sum3A_358 = vector.shape_cast %broadcast_in_dim3A_343 : vector<512x1xf32> to vector<1x512x1xf32>
    %reduce_sum3A_359 = arith.constant dense<0.000000e+00> : vector<1xf32>
    %reduce_sum3A_360 = vector.multi_reduction <add>, %reduce_sum3A_358, %reduce_sum3A_359 [1, 2] : vector<1x512x1xf32> to vector<1xf32>
    %reduce_sum3A_361 = vector.shape_cast %reduce_sum3A_360 : vector<1xf32> to vector<1x1x1xf32>
    %reduce_sum3A_362 = vector.extract %reduce_sum3A_361[0, 0, 0] : f32 from vector<1x1x1xf32>
    %get3A_363 = arith.constant 2560 : index
    %get3A_364 = arith.constant 0 : index
    %get3A_365 = vector.load %arg1[%get3A_363, %get3A_364] : memref<4608x768xf32, #tpu.memory_space<vmem>>, vector<512x768xf32>
    %get3A_366 = arith.constant 0 : index
    %get3A_367 = arith.constant 0 : index
    %get3A_368 = vector.load %arg2[%get3A_366, %get3A_367] : memref<768x128xf32, #tpu.memory_space<vmem>>, vector<768x128xf32>
    %dot_general3A_369 = arith.constant dense<0.000000e+00> : vector<512x128xf32>
    %dot_general3A_370 = tpu.matmul %get3A_365, %get3A_368, %dot_general3A_369 {dimension_numbers = #tpu.dot_dimension_numbers<[1], [0], [0], [1], [0, 0, 1, 1], [], []>, transpose_lhs_hint = false} : vector<512x768xf32>, vector<768x128xf32>, vector<512x128xf32> -> vector<512x128xf32>
    %get3A_371 = arith.constant 0 : index
    %get3A_372 = arith.constant 0 : index
    %get3A_373 = vector.load %arg3[%get3A_371, %get3A_372] : memref<1x128xf32, #tpu.memory_space<vmem>>, vector<1x128xf32>
    %add3A_374 = vector.broadcast %get3A_373 : vector<1x128xf32> to vector<512x128xf32>
    %add3A_375 = arith.addf %dot_general3A_370, %add3A_374 : vector<512x128xf32>
    %mul3A_376 = arith.constant 5.000000e-01 : f32
    %mul3A_377 = vector.broadcast %mul3A_376 : f32 to vector<512x128xf32>
    %mul3A_378 = arith.mulf %mul3A_377, %add3A_375 : vector<512x128xf32>
    %mul3A_379 = arith.constant 0.707106769 : f32
    %mul3A_380 = vector.broadcast %mul3A_379 : f32 to vector<512x128xf32>
    %mul3A_381 = arith.mulf %add3A_375, %mul3A_380 : vector<512x128xf32>
    %erf3A_382 = math.erf %mul3A_381 : vector<512x128xf32>
    %add3A_383 = arith.constant 1.000000e+00 : f32
    %add3A_384 = vector.broadcast %add3A_383 : f32 to vector<512x128xf32>
    %add3A_385 = arith.addf %add3A_384, %erf3A_382 : vector<512x128xf32>
    %mul3A_386 = arith.mulf %mul3A_378, %add3A_385 : vector<512x128xf32>
    %get3A_387 = arith.constant 0 : index
    %get3A_388 = arith.constant 0 : index
    %get3A_389 = vector.load %arg4[%get3A_387, %get3A_388] : memref<128x64xf32, #tpu.memory_space<vmem>>, vector<128x64xf32>
    %dot_general3A_390 = arith.constant dense<0.000000e+00> : vector<512x64xf32>
    %dot_general3A_391 = tpu.matmul %mul3A_386, %get3A_389, %dot_general3A_390 {dimension_numbers = #tpu.dot_dimension_numbers<[1], [0], [0], [1], [0, 0, 1, 1], [], []>, transpose_lhs_hint = false} : vector<512x128xf32>, vector<128x64xf32>, vector<512x64xf32> -> vector<512x64xf32>
    %get3A_392 = arith.constant 0 : index
    %get3A_393 = arith.constant 0 : index
    %get3A_394 = vector.load %arg5[%get3A_392, %get3A_393] : memref<1x64xf32, #tpu.memory_space<vmem>>, vector<1x64xf32>
    %add3A_395 = vector.broadcast %get3A_394 : vector<1x64xf32> to vector<512x64xf32>
    %add3A_396 = arith.addf %dot_general3A_391, %add3A_395 : vector<512x64xf32>
    %mul3A_397 = arith.mulf %add3A_396, %add3A_396 : vector<512x64xf32>
    %reduce_sum3A_398 = arith.constant dense<0.000000e+00> : vector<512xf32>
    %reduce_sum3A_399 = vector.multi_reduction <add>, %mul3A_397, %reduce_sum3A_398 [1] : vector<512x64xf32> to vector<512xf32>
    %broadcast_in_dim3A_400 = vector.shape_cast %reduce_sum3A_399 : vector<512xf32> to vector<512x1xf32>
    %mul3A_401 = arith.constant 2.000000e+00 : f32
    %mul3A_402 = vector.broadcast %mul3A_401 : f32 to vector<512x64xf32>
    %mul3A_403 = arith.mulf %mul3A_402, %add3A_396 : vector<512x64xf32>
    %get3A_404 = arith.constant 0 : index
    %get3A_405 = arith.constant 0 : index
    %get3A_406 = vector.load %arg6[%get3A_404, %get3A_405] : memref<64x512xf32, #tpu.memory_space<vmem>>, vector<64x512xf32>
    %dot_general3A_407 = arith.constant dense<0.000000e+00> : vector<512x512xf32>
    %dot_general3A_408 = tpu.matmul %mul3A_403, %get3A_406, %dot_general3A_407 {dimension_numbers = #tpu.dot_dimension_numbers<[1], [0], [0], [1], [0, 0, 1, 1], [], []>, transpose_lhs_hint = false} : vector<512x64xf32>, vector<64x512xf32>, vector<512x512xf32> -> vector<512x512xf32>
    %get3A_409 = arith.constant 0 : index
    %get3A_410 = arith.constant 0 : index
    %get3A_411 = vector.load %arg7[%get3A_409, %get3A_410] : memref<1x512xf32, #tpu.memory_space<vmem>>, vector<1x512xf32>
    %add3A_412 = vector.broadcast %broadcast_in_dim3A_400 : vector<512x1xf32> to vector<512x512xf32>
    %add3A_413 = vector.broadcast %get3A_411 : vector<1x512xf32> to vector<512x512xf32>
    %add3A_414 = arith.addf %add3A_412, %add3A_413 : vector<512x512xf32>
    %sub3A_415 = arith.subf %add3A_414, %dot_general3A_408 : vector<512x512xf32>
    %reduce_min3A_416 = arith.constant dense<0x7F800000> : vector<512xf32>
    %reduce_min3A_417 = vector.multi_reduction <minimumf>, %sub3A_415, %reduce_min3A_416 [1] : vector<512x512xf32> to vector<512xf32>
    %broadcast_in_dim3A_418 = vector.shape_cast %reduce_min3A_417 : vector<512xf32> to vector<512x1xf32>
    %iota3A_419 = tpu.iota {dimensions = array<i32: 1>} : vector<512x512xi32>
    %le3A_420 = vector.broadcast %broadcast_in_dim3A_418 : vector<512x1xf32> to vector<512x512xf32>
    %le3A_421 = arith.cmpf ole, %sub3A_415, %le3A_420 : vector<512x512xf32>
    %jit3A_422 = arith.constant 512 : i32
    %broadcast_in_dim3A_423 = vector.broadcast %jit3A_422 : i32 to vector<512x512xi32>
    %select_n3A_424 = arith.select %le3A_421, %iota3A_419, %broadcast_in_dim3A_423 : vector<512x512xi1>, vector<512x512xi32>
    %reduce_min3A_425 = arith.constant dense<2147483647> : vector<512xi32>
    %reduce_min3A_426 = vector.multi_reduction <minsi>, %select_n3A_424, %reduce_min3A_425 [1] : vector<512x512xi32> to vector<512xi32>
    %swap3A_427 = arith.constant 0 : index
    %swap3A_428 = arith.constant 0 : index
    %swap3A_429 = arith.constant 2560 : index
    %swap3A_430 = vector.load %arg11[%swap3A_427, %swap3A_428, %swap3A_429] : memref<1x1x4608xi32, #tpu.memory_space<vmem>>, vector<1x1x512xi32>
    %swap3A_431 = vector.shape_cast %swap3A_430 : vector<1x1x512xi32> to vector<512xi32>
    %swap3A_432 = vector.shape_cast %reduce_min3A_426 : vector<512xi32> to vector<1x1x512xi32>
    tpu.vector_store %arg11[%swap3A_427, %swap3A_428, %swap3A_429], %swap3A_432 {strides = array<i32>} : memref<1x1x4608xi32, #tpu.memory_space<vmem>>, vector<1x1x512xi32>,
    %reduce_sum3A_433 = vector.shape_cast %broadcast_in_dim3A_418 : vector<512x1xf32> to vector<1x512x1xf32>
    %reduce_sum3A_434 = arith.constant dense<0.000000e+00> : vector<1xf32>
    %reduce_sum3A_435 = vector.multi_reduction <add>, %reduce_sum3A_433, %reduce_sum3A_434 [1, 2] : vector<1x512x1xf32> to vector<1xf32>
    %reduce_sum3A_436 = vector.shape_cast %reduce_sum3A_435 : vector<1xf32> to vector<1x1x1xf32>
    %reduce_sum3A_437 = vector.extract %reduce_sum3A_436[0, 0, 0] : f32 from vector<1x1x1xf32>
    %get3A_438 = arith.constant 3072 : index
    %get3A_439 = arith.constant 0 : index
    %get3A_440 = vector.load %arg1[%get3A_438, %get3A_439] : memref<4608x768xf32, #tpu.memory_space<vmem>>, vector<512x768xf32>
    %get3A_441 = arith.constant 0 : index
    %get3A_442 = arith.constant 0 : index
    %get3A_443 = vector.load %arg2[%get3A_441, %get3A_442] : memref<768x128xf32, #tpu.memory_space<vmem>>, vector<768x128xf32>
    %dot_general3A_444 = arith.constant dense<0.000000e+00> : vector<512x128xf32>
    %dot_general3A_445 = tpu.matmul %get3A_440, %get3A_443, %dot_general3A_444 {dimension_numbers = #tpu.dot_dimension_numbers<[1], [0], [0], [1], [0, 0, 1, 1], [], []>, transpose_lhs_hint = false} : vector<512x768xf32>, vector<768x128xf32>, vector<512x128xf32> -> vector<512x128xf32>
    %get3A_446 = arith.constant 0 : index
    %get3A_447 = arith.constant 0 : index
    %get3A_448 = vector.load %arg3[%get3A_446, %get3A_447] : memref<1x128xf32, #tpu.memory_space<vmem>>, vector<1x128xf32>
    %add3A_449 = vector.broadcast %get3A_448 : vector<1x128xf32> to vector<512x128xf32>
    %add3A_450 = arith.addf %dot_general3A_445, %add3A_449 : vector<512x128xf32>
    %mul3A_451 = arith.constant 5.000000e-01 : f32
    %mul3A_452 = vector.broadcast %mul3A_451 : f32 to vector<512x128xf32>
    %mul3A_453 = arith.mulf %mul3A_452, %add3A_450 : vector<512x128xf32>
    %mul3A_454 = arith.constant 0.707106769 : f32
    %mul3A_455 = vector.broadcast %mul3A_454 : f32 to vector<512x128xf32>
    %mul3A_456 = arith.mulf %add3A_450, %mul3A_455 : vector<512x128xf32>
    %erf3A_457 = math.erf %mul3A_456 : vector<512x128xf32>
    %add3A_458 = arith.constant 1.000000e+00 : f32
    %add3A_459 = vector.broadcast %add3A_458 : f32 to vector<512x128xf32>
    %add3A_460 = arith.addf %add3A_459, %erf3A_457 : vector<512x128xf32>
    %mul3A_461 = arith.mulf %mul3A_453, %add3A_460 : vector<512x128xf32>
    %get3A_462 = arith.constant 0 : index
    %get3A_463 = arith.constant 0 : index
    %get3A_464 = vector.load %arg4[%get3A_462, %get3A_463] : memref<128x64xf32, #tpu.memory_space<vmem>>, vector<128x64xf32>
    %dot_general3A_465 = arith.constant dense<0.000000e+00> : vector<512x64xf32>
    %dot_general3A_466 = tpu.matmul %mul3A_461, %get3A_464, %dot_general3A_465 {dimension_numbers = #tpu.dot_dimension_numbers<[1], [0], [0], [1], [0, 0, 1, 1], [], []>, transpose_lhs_hint = false} : vector<512x128xf32>, vector<128x64xf32>, vector<512x64xf32> -> vector<512x64xf32>
    %get3A_467 = arith.constant 0 : index
    %get3A_468 = arith.constant 0 : index
    %get3A_469 = vector.load %arg5[%get3A_467, %get3A_468] : memref<1x64xf32, #tpu.memory_space<vmem>>, vector<1x64xf32>
    %add3A_470 = vector.broadcast %get3A_469 : vector<1x64xf32> to vector<512x64xf32>
    %add3A_471 = arith.addf %dot_general3A_466, %add3A_470 : vector<512x64xf32>
    %mul3A_472 = arith.mulf %add3A_471, %add3A_471 : vector<512x64xf32>
    %reduce_sum3A_473 = arith.constant dense<0.000000e+00> : vector<512xf32>
    %reduce_sum3A_474 = vector.multi_reduction <add>, %mul3A_472, %reduce_sum3A_473 [1] : vector<512x64xf32> to vector<512xf32>
    %broadcast_in_dim3A_475 = vector.shape_cast %reduce_sum3A_474 : vector<512xf32> to vector<512x1xf32>
    %mul3A_476 = arith.constant 2.000000e+00 : f32
    %mul3A_477 = vector.broadcast %mul3A_476 : f32 to vector<512x64xf32>
    %mul3A_478 = arith.mulf %mul3A_477, %add3A_471 : vector<512x64xf32>
    %get3A_479 = arith.constant 0 : index
    %get3A_480 = arith.constant 0 : index
    %get3A_481 = vector.load %arg6[%get3A_479, %get3A_480] : memref<64x512xf32, #tpu.memory_space<vmem>>, vector<64x512xf32>
    %dot_general3A_482 = arith.constant dense<0.000000e+00> : vector<512x512xf32>
    %dot_general3A_483 = tpu.matmul %mul3A_478, %get3A_481, %dot_general3A_482 {dimension_numbers = #tpu.dot_dimension_numbers<[1], [0], [0], [1], [0, 0, 1, 1], [], []>, transpose_lhs_hint = false} : vector<512x64xf32>, vector<64x512xf32>, vector<512x512xf32> -> vector<512x512xf32>
    %get3A_484 = arith.constant 0 : index
    %get3A_485 = arith.constant 0 : index
    %get3A_486 = vector.load %arg7[%get3A_484, %get3A_485] : memref<1x512xf32, #tpu.memory_space<vmem>>, vector<1x512xf32>
    %add3A_487 = vector.broadcast %broadcast_in_dim3A_475 : vector<512x1xf32> to vector<512x512xf32>
    %add3A_488 = vector.broadcast %get3A_486 : vector<1x512xf32> to vector<512x512xf32>
    %add3A_489 = arith.addf %add3A_487, %add3A_488 : vector<512x512xf32>
    %sub3A_490 = arith.subf %add3A_489, %dot_general3A_483 : vector<512x512xf32>
    %reduce_min3A_491 = arith.constant dense<0x7F800000> : vector<512xf32>
    %reduce_min3A_492 = vector.multi_reduction <minimumf>, %sub3A_490, %reduce_min3A_491 [1] : vector<512x512xf32> to vector<512xf32>
    %broadcast_in_dim3A_493 = vector.shape_cast %reduce_min3A_492 : vector<512xf32> to vector<512x1xf32>
    %iota3A_494 = tpu.iota {dimensions = array<i32: 1>} : vector<512x512xi32>
    %le3A_495 = vector.broadcast %broadcast_in_dim3A_493 : vector<512x1xf32> to vector<512x512xf32>
    %le3A_496 = arith.cmpf ole, %sub3A_490, %le3A_495 : vector<512x512xf32>
    %jit3A_497 = arith.constant 512 : i32
    %broadcast_in_dim3A_498 = vector.broadcast %jit3A_497 : i32 to vector<512x512xi32>
    %select_n3A_499 = arith.select %le3A_496, %iota3A_494, %broadcast_in_dim3A_498 : vector<512x512xi1>, vector<512x512xi32>
    %reduce_min3A_500 = arith.constant dense<2147483647> : vector<512xi32>
    %reduce_min3A_501 = vector.multi_reduction <minsi>, %select_n3A_499, %reduce_min3A_500 [1] : vector<512x512xi32> to vector<512xi32>
    %swap3A_502 = arith.constant 0 : index
    %swap3A_503 = arith.constant 0 : index
    %swap3A_504 = arith.constant 3072 : index
    %swap3A_505 = vector.load %arg11[%swap3A_502, %swap3A_503, %swap3A_504] : memref<1x1x4608xi32, #tpu.memory_space<vmem>>, vector<1x1x512xi32>
    %swap3A_506 = vector.shape_cast %swap3A_505 : vector<1x1x512xi32> to vector<512xi32>
    %swap3A_507 = vector.shape_cast %reduce_min3A_501 : vector<512xi32> to vector<1x1x512xi32>
    tpu.vector_store %arg11[%swap3A_502, %swap3A_503, %swap3A_504], %swap3A_507 {strides = array<i32>} : memref<1x1x4608xi32, #tpu.memory_space<vmem>>, vector<1x1x512xi32>,
    %reduce_sum3A_508 = vector.shape_cast %broadcast_in_dim3A_493 : vector<512x1xf32> to vector<1x512x1xf32>
    %reduce_sum3A_509 = arith.constant dense<0.000000e+00> : vector<1xf32>
    %reduce_sum3A_510 = vector.multi_reduction <add>, %reduce_sum3A_508, %reduce_sum3A_509 [1, 2] : vector<1x512x1xf32> to vector<1xf32>
    %reduce_sum3A_511 = vector.shape_cast %reduce_sum3A_510 : vector<1xf32> to vector<1x1x1xf32>
    %reduce_sum3A_512 = vector.extract %reduce_sum3A_511[0, 0, 0] : f32 from vector<1x1x1xf32>
    %get3A_513 = arith.constant 3584 : index
    %get3A_514 = arith.constant 0 : index
    %get3A_515 = vector.load %arg1[%get3A_513, %get3A_514] : memref<4608x768xf32, #tpu.memory_space<vmem>>, vector<512x768xf32>
    %get3A_516 = arith.constant 0 : index
    %get3A_517 = arith.constant 0 : index
    %get3A_518 = vector.load %arg2[%get3A_516, %get3A_517] : memref<768x128xf32, #tpu.memory_space<vmem>>, vector<768x128xf32>
    %dot_general3A_519 = arith.constant dense<0.000000e+00> : vector<512x128xf32>
    %dot_general3A_520 = tpu.matmul %get3A_515, %get3A_518, %dot_general3A_519 {dimension_numbers = #tpu.dot_dimension_numbers<[1], [0], [0], [1], [0, 0, 1, 1], [], []>, transpose_lhs_hint = false} : vector<512x768xf32>, vector<768x128xf32>, vector<512x128xf32> -> vector<512x128xf32>
    %get3A_521 = arith.constant 0 : index
    %get3A_522 = arith.constant 0 : index
    %get3A_523 = vector.load %arg3[%get3A_521, %get3A_522] : memref<1x128xf32, #tpu.memory_space<vmem>>, vector<1x128xf32>
    %add3A_524 = vector.broadcast %get3A_523 : vector<1x128xf32> to vector<512x128xf32>
    %add3A_525 = arith.addf %dot_general3A_520, %add3A_524 : vector<512x128xf32>
    %mul3A_526 = arith.constant 5.000000e-01 : f32
    %mul3A_527 = vector.broadcast %mul3A_526 : f32 to vector<512x128xf32>
    %mul3A_528 = arith.mulf %mul3A_527, %add3A_525 : vector<512x128xf32>
    %mul3A_529 = arith.constant 0.707106769 : f32
    %mul3A_530 = vector.broadcast %mul3A_529 : f32 to vector<512x128xf32>
    %mul3A_531 = arith.mulf %add3A_525, %mul3A_530 : vector<512x128xf32>
    %erf3A_532 = math.erf %mul3A_531 : vector<512x128xf32>
    %add3A_533 = arith.constant 1.000000e+00 : f32
    %add3A_534 = vector.broadcast %add3A_533 : f32 to vector<512x128xf32>
    %add3A_535 = arith.addf %add3A_534, %erf3A_532 : vector<512x128xf32>
    %mul3A_536 = arith.mulf %mul3A_528, %add3A_535 : vector<512x128xf32>
    %get3A_537 = arith.constant 0 : index
    %get3A_538 = arith.constant 0 : index
    %get3A_539 = vector.load %arg4[%get3A_537, %get3A_538] : memref<128x64xf32, #tpu.memory_space<vmem>>, vector<128x64xf32>
    %dot_general3A_540 = arith.constant dense<0.000000e+00> : vector<512x64xf32>
    %dot_general3A_541 = tpu.matmul %mul3A_536, %get3A_539, %dot_general3A_540 {dimension_numbers = #tpu.dot_dimension_numbers<[1], [0], [0], [1], [0, 0, 1, 1], [], []>, transpose_lhs_hint = false} : vector<512x128xf32>, vector<128x64xf32>, vector<512x64xf32> -> vector<512x64xf32>
    %get3A_542 = arith.constant 0 : index
    %get3A_543 = arith.constant 0 : index
    %get3A_544 = vector.load %arg5[%get3A_542, %get3A_543] : memref<1x64xf32, #tpu.memory_space<vmem>>, vector<1x64xf32>
    %add3A_545 = vector.broadcast %get3A_544 : vector<1x64xf32> to vector<512x64xf32>
    %add3A_546 = arith.addf %dot_general3A_541, %add3A_545 : vector<512x64xf32>
    %mul3A_547 = arith.mulf %add3A_546, %add3A_546 : vector<512x64xf32>
    %reduce_sum3A_548 = arith.constant dense<0.000000e+00> : vector<512xf32>
    %reduce_sum3A_549 = vector.multi_reduction <add>, %mul3A_547, %reduce_sum3A_548 [1] : vector<512x64xf32> to vector<512xf32>
    %broadcast_in_dim3A_550 = vector.shape_cast %reduce_sum3A_549 : vector<512xf32> to vector<512x1xf32>
    %mul3A_551 = arith.constant 2.000000e+00 : f32
    %mul3A_552 = vector.broadcast %mul3A_551 : f32 to vector<512x64xf32>
    %mul3A_553 = arith.mulf %mul3A_552, %add3A_546 : vector<512x64xf32>
    %get3A_554 = arith.constant 0 : index
    %get3A_555 = arith.constant 0 : index
    %get3A_556 = vector.load %arg6[%get3A_554, %get3A_555] : memref<64x512xf32, #tpu.memory_space<vmem>>, vector<64x512xf32>
    %dot_general3A_557 = arith.constant dense<0.000000e+00> : vector<512x512xf32>
    %dot_general3A_558 = tpu.matmul %mul3A_553, %get3A_556, %dot_general3A_557 {dimension_numbers = #tpu.dot_dimension_numbers<[1], [0], [0], [1], [0, 0, 1, 1], [], []>, transpose_lhs_hint = false} : vector<512x64xf32>, vector<64x512xf32>, vector<512x512xf32> -> vector<512x512xf32>
    %get3A_559 = arith.constant 0 : index
    %get3A_560 = arith.constant 0 : index
    %get3A_561 = vector.load %arg7[%get3A_559, %get3A_560] : memref<1x512xf32, #tpu.memory_space<vmem>>, vector<1x512xf32>
    %add3A_562 = vector.broadcast %broadcast_in_dim3A_550 : vector<512x1xf32> to vector<512x512xf32>
    %add3A_563 = vector.broadcast %get3A_561 : vector<1x512xf32> to vector<512x512xf32>
    %add3A_564 = arith.addf %add3A_562, %add3A_563 : vector<512x512xf32>
    %sub3A_565 = arith.subf %add3A_564, %dot_general3A_558 : vector<512x512xf32>
    %reduce_min3A_566 = arith.constant dense<0x7F800000> : vector<512xf32>
    %reduce_min3A_567 = vector.multi_reduction <minimumf>, %sub3A_565, %reduce_min3A_566 [1] : vector<512x512xf32> to vector<512xf32>
    %broadcast_in_dim3A_568 = vector.shape_cast %reduce_min3A_567 : vector<512xf32> to vector<512x1xf32>
    %iota3A_569 = tpu.iota {dimensions = array<i32: 1>} : vector<512x512xi32>
    %le3A_570 = vector.broadcast %broadcast_in_dim3A_568 : vector<512x1xf32> to vector<512x512xf32>
    %le3A_571 = arith.cmpf ole, %sub3A_565, %le3A_570 : vector<512x512xf32>
    %jit3A_572 = arith.constant 512 : i32
    %broadcast_in_dim3A_573 = vector.broadcast %jit3A_572 : i32 to vector<512x512xi32>
    %select_n3A_574 = arith.select %le3A_571, %iota3A_569, %broadcast_in_dim3A_573 : vector<512x512xi1>, vector<512x512xi32>
    %reduce_min3A_575 = arith.constant dense<2147483647> : vector<512xi32>
    %reduce_min3A_576 = vector.multi_reduction <minsi>, %select_n3A_574, %reduce_min3A_575 [1] : vector<512x512xi32> to vector<512xi32>
    %swap3A_577 = arith.constant 0 : index
    %swap3A_578 = arith.constant 0 : index
    %swap3A_579 = arith.constant 3584 : index
    %swap3A_580 = vector.load %arg11[%swap3A_577, %swap3A_578, %swap3A_579] : memref<1x1x4608xi32, #tpu.memory_space<vmem>>, vector<1x1x512xi32>
    %swap3A_581 = vector.shape_cast %swap3A_580 : vector<1x1x512xi32> to vector<512xi32>
    %swap3A_582 = vector.shape_cast %reduce_min3A_576 : vector<512xi32> to vector<1x1x512xi32>
    tpu.vector_store %arg11[%swap3A_577, %swap3A_578, %swap3A_579], %swap3A_582 {strides = array<i32>} : memref<1x1x4608xi32, #tpu.memory_space<vmem>>, vector<1x1x512xi32>,
    %reduce_sum3A_583 = vector.shape_cast %broadcast_in_dim3A_568 : vector<512x1xf32> to vector<1x512x1xf32>
    %reduce_sum3A_584 = arith.constant dense<0.000000e+00> : vector<1xf32>
    %reduce_sum3A_585 = vector.multi_reduction <add>, %reduce_sum3A_583, %reduce_sum3A_584 [1, 2] : vector<1x512x1xf32> to vector<1xf32>
    %reduce_sum3A_586 = vector.shape_cast %reduce_sum3A_585 : vector<1xf32> to vector<1x1x1xf32>
    %reduce_sum3A_587 = vector.extract %reduce_sum3A_586[0, 0, 0] : f32 from vector<1x1x1xf32>
    %get3A_588 = arith.constant 4096 : index
    %get3A_589 = arith.constant 0 : index
    %get3A_590 = vector.load %arg1[%get3A_588, %get3A_589] : memref<4608x768xf32, #tpu.memory_space<vmem>>, vector<512x768xf32>
    %get3A_591 = arith.constant 0 : index
    %get3A_592 = arith.constant 0 : index
    %get3A_593 = vector.load %arg2[%get3A_591, %get3A_592] : memref<768x128xf32, #tpu.memory_space<vmem>>, vector<768x128xf32>
    %dot_general3A_594 = arith.constant dense<0.000000e+00> : vector<512x128xf32>
    %dot_general3A_595 = tpu.matmul %get3A_590, %get3A_593, %dot_general3A_594 {dimension_numbers = #tpu.dot_dimension_numbers<[1], [0], [0], [1], [0, 0, 1, 1], [], []>, transpose_lhs_hint = false} : vector<512x768xf32>, vector<768x128xf32>, vector<512x128xf32> -> vector<512x128xf32>
    %get3A_596 = arith.constant 0 : index
    %get3A_597 = arith.constant 0 : index
    %get3A_598 = vector.load %arg3[%get3A_596, %get3A_597] : memref<1x128xf32, #tpu.memory_space<vmem>>, vector<1x128xf32>
    %add3A_599 = vector.broadcast %get3A_598 : vector<1x128xf32> to vector<512x128xf32>
    %add3A_600 = arith.addf %dot_general3A_595, %add3A_599 : vector<512x128xf32>
    %mul3A_601 = arith.constant 5.000000e-01 : f32
    %mul3A_602 = vector.broadcast %mul3A_601 : f32 to vector<512x128xf32>
    %mul3A_603 = arith.mulf %mul3A_602, %add3A_600 : vector<512x128xf32>
    %mul3A_604 = arith.constant 0.707106769 : f32
    %mul3A_605 = vector.broadcast %mul3A_604 : f32 to vector<512x128xf32>
    %mul3A_606 = arith.mulf %add3A_600, %mul3A_605 : vector<512x128xf32>
    %erf3A_607 = math.erf %mul3A_606 : vector<512x128xf32>
    %add3A_608 = arith.constant 1.000000e+00 : f32
    %add3A_609 = vector.broadcast %add3A_608 : f32 to vector<512x128xf32>
    %add3A_610 = arith.addf %add3A_609, %erf3A_607 : vector<512x128xf32>
    %mul3A_611 = arith.mulf %mul3A_603, %add3A_610 : vector<512x128xf32>
    %get3A_612 = arith.constant 0 : index
    %get3A_613 = arith.constant 0 : index
    %get3A_614 = vector.load %arg4[%get3A_612, %get3A_613] : memref<128x64xf32, #tpu.memory_space<vmem>>, vector<128x64xf32>
    %dot_general3A_615 = arith.constant dense<0.000000e+00> : vector<512x64xf32>
    %dot_general3A_616 = tpu.matmul %mul3A_611, %get3A_614, %dot_general3A_615 {dimension_numbers = #tpu.dot_dimension_numbers<[1], [0], [0], [1], [0, 0, 1, 1], [], []>, transpose_lhs_hint = false} : vector<512x128xf32>, vector<128x64xf32>, vector<512x64xf32> -> vector<512x64xf32>
    %get3A_617 = arith.constant 0 : index
    %get3A_618 = arith.constant 0 : index
    %get3A_619 = vector.load %arg5[%get3A_617, %get3A_618] : memref<1x64xf32, #tpu.memory_space<vmem>>, vector<1x64xf32>
    %add3A_620 = vector.broadcast %get3A_619 : vector<1x64xf32> to vector<512x64xf32>
    %add3A_621 = arith.addf %dot_general3A_616, %add3A_620 : vector<512x64xf32>
    %mul3A_622 = arith.mulf %add3A_621, %add3A_621 : vector<512x64xf32>
    %reduce_sum3A_623 = arith.constant dense<0.000000e+00> : vector<512xf32>
    %reduce_sum3A_624 = vector.multi_reduction <add>, %mul3A_622, %reduce_sum3A_623 [1] : vector<512x64xf32> to vector<512xf32>
    %broadcast_in_dim3A_625 = vector.shape_cast %reduce_sum3A_624 : vector<512xf32> to vector<512x1xf32>
    %mul3A_626 = arith.constant 2.000000e+00 : f32
    %mul3A_627 = vector.broadcast %mul3A_626 : f32 to vector<512x64xf32>
    %mul3A_628 = arith.mulf %mul3A_627, %add3A_621 : vector<512x64xf32>
    %get3A_629 = arith.constant 0 : index
    %get3A_630 = arith.constant 0 : index
    %get3A_631 = vector.load %arg6[%get3A_629, %get3A_630] : memref<64x512xf32, #tpu.memory_space<vmem>>, vector<64x512xf32>
    %dot_general3A_632 = arith.constant dense<0.000000e+00> : vector<512x512xf32>
    %dot_general3A_633 = tpu.matmul %mul3A_628, %get3A_631, %dot_general3A_632 {dimension_numbers = #tpu.dot_dimension_numbers<[1], [0], [0], [1], [0, 0, 1, 1], [], []>, transpose_lhs_hint = false} : vector<512x64xf32>, vector<64x512xf32>, vector<512x512xf32> -> vector<512x512xf32>
    %get3A_634 = arith.constant 0 : index
    %get3A_635 = arith.constant 0 : index
    %get3A_636 = vector.load %arg7[%get3A_634, %get3A_635] : memref<1x512xf32, #tpu.memory_space<vmem>>, vector<1x512xf32>
    %add3A_637 = vector.broadcast %broadcast_in_dim3A_625 : vector<512x1xf32> to vector<512x512xf32>
    %add3A_638 = vector.broadcast %get3A_636 : vector<1x512xf32> to vector<512x512xf32>
    %add3A_639 = arith.addf %add3A_637, %add3A_638 : vector<512x512xf32>
    %sub3A_640 = arith.subf %add3A_639, %dot_general3A_633 : vector<512x512xf32>
    %reduce_min3A_641 = arith.constant dense<0x7F800000> : vector<512xf32>
    %reduce_min3A_642 = vector.multi_reduction <minimumf>, %sub3A_640, %reduce_min3A_641 [1] : vector<512x512xf32> to vector<512xf32>
    %broadcast_in_dim3A_643 = vector.shape_cast %reduce_min3A_642 : vector<512xf32> to vector<512x1xf32>
    %iota3A_644 = tpu.iota {dimensions = array<i32: 1>} : vector<512x512xi32>
    %le3A_645 = vector.broadcast %broadcast_in_dim3A_643 : vector<512x1xf32> to vector<512x512xf32>
    %le3A_646 = arith.cmpf ole, %sub3A_640, %le3A_645 : vector<512x512xf32>
    %jit3A_647 = arith.constant 512 : i32
    %broadcast_in_dim3A_648 = vector.broadcast %jit3A_647 : i32 to vector<512x512xi32>
    %select_n3A_649 = arith.select %le3A_646, %iota3A_644, %broadcast_in_dim3A_648 : vector<512x512xi1>, vector<512x512xi32>
    %reduce_min3A_650 = arith.constant dense<2147483647> : vector<512xi32>
    %reduce_min3A_651 = vector.multi_reduction <minsi>, %select_n3A_649, %reduce_min3A_650 [1] : vector<512x512xi32> to vector<512xi32>
    %swap3A_652 = arith.constant 0 : index
    %swap3A_653 = arith.constant 0 : index
    %swap3A_654 = arith.constant 4096 : index
    %swap3A_655 = vector.load %arg11[%swap3A_652, %swap3A_653, %swap3A_654] : memref<1x1x4608xi32, #tpu.memory_space<vmem>>, vector<1x1x512xi32>
    %swap3A_656 = vector.shape_cast %swap3A_655 : vector<1x1x512xi32> to vector<512xi32>
    %swap3A_657 = vector.shape_cast %reduce_min3A_651 : vector<512xi32> to vector<1x1x512xi32>
    tpu.vector_store %arg11[%swap3A_652, %swap3A_653, %swap3A_654], %swap3A_657 {strides = array<i32>} : memref<1x1x4608xi32, #tpu.memory_space<vmem>>, vector<1x1x512xi32>,
    %reduce_sum3A_658 = vector.shape_cast %broadcast_in_dim3A_643 : vector<512x1xf32> to vector<1x512x1xf32>
    %reduce_sum3A_659 = arith.constant dense<0.000000e+00> : vector<1xf32>
    %reduce_sum3A_660 = vector.multi_reduction <add>, %reduce_sum3A_658, %reduce_sum3A_659 [1, 2] : vector<1x512x1xf32> to vector<1xf32>
    %reduce_sum3A_661 = vector.shape_cast %reduce_sum3A_660 : vector<1xf32> to vector<1x1x1xf32>
    %reduce_sum3A_662 = vector.extract %reduce_sum3A_661[0, 0, 0] : f32 from vector<1x1x1xf32>
    %add3A_663 = arith.constant 0.000000e+00 : f32
    %add3A_664 = arith.addf %add3A_663, %reduce_sum3A_62 : f32
    %add3A_665 = arith.addf %add3A_664, %reduce_sum3A_137 : f32
    %add3A_666 = arith.addf %add3A_665, %reduce_sum3A_212 : f32
    %add3A_667 = arith.addf %add3A_666, %reduce_sum3A_287 : f32
    %add3A_668 = arith.addf %add3A_667, %reduce_sum3A_362 : f32
    %add3A_669 = arith.addf %add3A_668, %reduce_sum3A_437 : f32
    %add3A_670 = arith.addf %add3A_669, %reduce_sum3A_512 : f32
    %add3A_671 = arith.addf %add3A_670, %reduce_sum3A_587 : f32
    %add3A_672 = arith.addf %add3A_671, %reduce_sum3A_662 : f32
    %reshape3A = vector.broadcast %add3A_672 : f32 to vector<1x1xf32>
    %eq3A_673 = arith.constant 0 : i32
    %eq3A_674 = arith.cmpi eq, %arg0, %eq3A_673 : i32
    %convert_element_type3A_675 = arith.extui %eq3A_674 : i1 to i32
    %cond3A_676 = arith.constant 0 : i32
    %cond3A_677 = arith.cmpi ne, %convert_element_type3A_675, %cond3A_676 : i32
    scf.if %cond3A_677 {
      %broadcast_in_dim3A_690 = arith.constant 0.000000e+00 : f32
      %broadcast_in_dim3A_691 = vector.broadcast %broadcast_in_dim3A_690 : f32 to vector<1x1xf32>
      %swap3A_692 = arith.constant 0 : index
      %swap3A_693 = arith.constant 0 : index
      %swap3A_694 = vector.load %arg12[%swap3A_692, %swap3A_693] : memref<1x1xf32, #tpu.memory_space<vmem>>, vector<1x1xf32>
      tpu.vector_store %arg12[%swap3A_692, %swap3A_693], %broadcast_in_dim3A_691 {strides = array<i32>} : memref<1x1xf32, #tpu.memory_space<vmem>>, vector<1x1xf32>,
    } else {
    }
    %get3A_678 = arith.constant 0 : index
    %get3A_679 = arith.constant 0 : index
    %get3A_680 = vector.load %arg12[%get3A_678, %get3A_679] : memref<1x1xf32, #tpu.memory_space<vmem>>, vector<1x1xf32>
    %add3A_681 = arith.addf %get3A_680, %reshape3A : vector<1x1xf32>
    %swap3A_682 = arith.constant 0 : index
    %swap3A_683 = arith.constant 0 : index
    %swap3A_684 = vector.load %arg12[%swap3A_682, %swap3A_683] : memref<1x1xf32, #tpu.memory_space<vmem>>, vector<1x1xf32>
    tpu.vector_store %arg12[%swap3A_682, %swap3A_683], %add3A_681 {strides = array<i32>} : memref<1x1xf32, #tpu.memory_space<vmem>>, vector<1x1xf32>,
    %eq3A_685 = arith.constant 3 : i32
    %eq3A_686 = arith.cmpi eq, %arg0, %eq3A_685 : i32
    %convert_element_type3A_687 = arith.extui %eq3A_686 : i1 to i32
    %cond3A_688 = arith.constant 0 : i32
    %cond3A_689 = arith.cmpi ne, %convert_element_type3A_687, %cond3A_688 : i32
    scf.if %cond3A_689 {
      %get3A_690 = arith.constant 0 : index
      %get3A_691 = arith.constant 0 : index
      %get3A_692 = vector.load %arg12[%get3A_690, %get3A_691] : memref<1x1xf32, #tpu.memory_space<vmem>>, vector<1x1xf32>
      %mul3A_693 = arith.constant 1.05963818E-6 : f32
      %mul3A_694 = vector.broadcast %mul3A_693 : f32 to vector<1x1xf32>
      %mul3A_695 = arith.mulf %get3A_692, %mul3A_694 : vector<1x1xf32>
      %swap3A_696 = arith.constant 0 : index
      %swap3A_697 = arith.constant 0 : index
      %swap3A_698 = vector.load %arg12[%swap3A_696, %swap3A_697] : memref<1x1xf32, #tpu.memory_space<vmem>>, vector<1x1xf32>
      tpu.vector_store %arg12[%swap3A_696, %swap3A_697], %mul3A_695 {strides = array<i32>} : memref<1x1xf32, #tpu.memory_space<vmem>>, vector<1x1xf32>,
    } else {
    }
    return
  }
  func.func @transform_0(%arg0: i32) -> (i32, i32) {
    %c0_i32 = arith.constant 0 : i32
    %c0_i32_0 = arith.constant 0 : i32
    return %arg0, %c0_i32 : i32, i32
  }
  func.func @transform_1(%arg0: i32) -> (i32, i32) {
    %c0_i32 = arith.constant 0 : i32
    %c0_i32_0 = arith.constant 0 : i32
    %c0_i32_1 = arith.constant 0 : i32
    return %c0_i32, %c0_i32_0 : i32, i32
  }
  func.func @transform_2(%arg0: i32) -> (i32, i32) {
    %c0_i32 = arith.constant 0 : i32
    %c0_i32_0 = arith.constant 0 : i32
    %c0_i32_1 = arith.constant 0 : i32
    return %c0_i32, %c0_i32_0 : i32, i32
  }
  func.func @transform_3(%arg0: i32) -> (i32, i32) {
    %c0_i32 = arith.constant 0 : i32
    %c0_i32_0 = arith.constant 0 : i32
    %c0_i32_1 = arith.constant 0 : i32
    return %c0_i32, %c0_i32_0 : i32, i32
  }
  func.func @transform_4(%arg0: i32) -> (i32, i32) {
    %c0_i32 = arith.constant 0 : i32
    %c0_i32_0 = arith.constant 0 : i32
    %c0_i32_1 = arith.constant 0 : i32
    return %c0_i32, %c0_i32_0 : i32, i32
  }
  func.func @transform_5(%arg0: i32) -> (i32, i32) {
    %c0_i32 = arith.constant 0 : i32
    %c0_i32_0 = arith.constant 0 : i32
    %c0_i32_1 = arith.constant 0 : i32
    return %c0_i32, %c0_i32_0 : i32, i32
  }
  func.func @transform_6(%arg0: i32) -> (i32, i32) {
    %c0_i32 = arith.constant 0 : i32
    %c0_i32_0 = arith.constant 0 : i32
    %c0_i32_1 = arith.constant 0 : i32
    return %c0_i32, %c0_i32_0 : i32, i32
  }
  func.func @transform_7(%arg0: i32) -> (i32, i32) {
    %c0_i32 = arith.constant 0 : i32
    %c0_i32_0 = arith.constant 0 : i32
    %c0_i32_1 = arith.constant 0 : i32
    return %c0_i32, %c0_i32_0 : i32, i32
  }
  func.func @transform_8(%arg0: i32) -> (i32, i32) {
    %c0_i32 = arith.constant 0 : i32
    %c0_i32_0 = arith.constant 0 : i32
    %c0_i32_1 = arith.constant 0 : i32
    return %c0_i32, %c0_i32_0 : i32, i32
  }
  func.func @transform_9(%arg0: i32) -> (i32, i32) {
    %c0_i32 = arith.constant 0 : i32
    %c0_i32_0 = arith.constant 0 : i32
    %c0_i32_1 = arith.constant 0 : i32
    return %c0_i32, %c0_i32_0 : i32, i32
  }
  func.func @transform_10(%arg0: i32) -> (i32, i32, i32) {
    %c0_i32 = arith.constant 0 : i32
    %c0_i32_0 = arith.constant 0 : i32
    %c0_i32_1 = arith.constant 0 : i32
    return %arg0, %c0_i32, %c0_i32_0 : i32, i32, i32
  }
  func.func @transform_11(%arg0: i32) -> (i32, i32) {
    %c0_i32 = arith.constant 0 : i32
    %c0_i32_0 = arith.constant 0 : i32
    %c0_i32_1 = arith.constant 0 : i32
    return %c0_i32, %c0_i32_0 : i32, i32
  }
  func.func @transform_12(%arg0: i32) -> (i32, i32) {
    %c0_i32 = arith.constant 0 : i32
    %c0_i32_0 = arith.constant 0 : i32
    %c0_i32_1 = arith.constant 0 : i32
    return %c0_i32, %c0_i32_0 : i32, i32
  }
}

module attributes {stable_mosaic.version = 14 : i64} {
  func.func @_decode_body(%arg0: i32, %arg1: memref<2304x128xf32, #tpu.memory_space<vmem>>, %arg2: memref<128x768xf32, #tpu.memory_space<vmem>>, %arg3: memref<1x768xf32, #tpu.memory_space<vmem>>, %arg4: memref<2304x768xf32, #tpu.memory_space<vmem>>) attributes {dimension_semantics = [#tpu.dimension_semantics<arbitrary>], iteration_bounds = array<i64: 8>, scalar_prefetch = 0 : i64, scratch_operands = 0 : i64, tpu.core_type = #tpu.core_type<tc>, window_params = [{transform_indices = @transform_0, window_bounds = array<i64: 2304, 128>}, {pipeline_mode = #tpu.pipeline_mode<synchronous>, transform_indices = @transform_1, window_bounds = array<i64: 128, 768>}, {pipeline_mode = #tpu.pipeline_mode<synchronous>, transform_indices = @transform_2, window_bounds = array<i64: 1, 768>}, {transform_indices = @transform_3, window_bounds = array<i64: 2304, 768>}]} {
    %get3A = arith.constant 0 : index
    %get3A_0 = arith.constant 0 : index
    %get3A_1 = vector.load %arg1[%get3A, %get3A_0] : memref<2304x128xf32, #tpu.memory_space<vmem>>, vector<2304x128xf32>
    %get3A_2 = arith.constant 0 : index
    %get3A_3 = arith.constant 0 : index
    %get3A_4 = vector.load %arg2[%get3A_2, %get3A_3] : memref<128x768xf32, #tpu.memory_space<vmem>>, vector<128x768xf32>
    %dot_general3A = arith.constant dense<0.000000e+00> : vector<2304x768xf32>
    %dot_general3A_5 = tpu.matmul %get3A_1, %get3A_4, %dot_general3A {dimension_numbers = #tpu.dot_dimension_numbers<[1], [0], [0], [1], [0, 0, 1, 1], [], []>, transpose_lhs_hint = false} : vector<2304x128xf32>, vector<128x768xf32>, vector<2304x768xf32> -> vector<2304x768xf32>
    %get3A_6 = arith.constant 0 : index
    %get3A_7 = arith.constant 0 : index
    %get3A_8 = vector.load %arg3[%get3A_6, %get3A_7] : memref<1x768xf32, #tpu.memory_space<vmem>>, vector<1x768xf32>
    %add3A = vector.broadcast %get3A_8 : vector<1x768xf32> to vector<2304x768xf32>
    %add3A_9 = arith.addf %dot_general3A_5, %add3A : vector<2304x768xf32>
    %swap3A = arith.constant 0 : index
    %swap3A_10 = arith.constant 0 : index
    %swap3A_11 = vector.load %arg4[%swap3A, %swap3A_10] : memref<2304x768xf32, #tpu.memory_space<vmem>>, vector<2304x768xf32>
    tpu.vector_store %arg4[%swap3A, %swap3A_10], %add3A_9 {strides = array<i32>} : memref<2304x768xf32, #tpu.memory_space<vmem>>, vector<2304x768xf32>,
    return
  }
  func.func @transform_0(%arg0: i32) -> (i32, i32) {
    %c0_i32 = arith.constant 0 : i32
    %c0_i32_0 = arith.constant 0 : i32
    return %arg0, %c0_i32 : i32, i32
  }
  func.func @transform_1(%arg0: i32) -> (i32, i32) {
    %c0_i32 = arith.constant 0 : i32
    %c0_i32_0 = arith.constant 0 : i32
    %c0_i32_1 = arith.constant 0 : i32
    return %c0_i32, %c0_i32_0 : i32, i32
  }
  func.func @transform_2(%arg0: i32) -> (i32, i32) {
    %c0_i32 = arith.constant 0 : i32
    %c0_i32_0 = arith.constant 0 : i32
    %c0_i32_1 = arith.constant 0 : i32
    return %c0_i32, %c0_i32_0 : i32, i32
  }
  func.func @transform_3(%arg0: i32) -> (i32, i32) {
    %c0_i32 = arith.constant 0 : i32
    %c0_i32_0 = arith.constant 0 : i32
    return %arg0, %c0_i32 : i32, i32
  }
}

</mosaic_0001>

<sc_bundles>
// kernel: kernel.5.cloned.1.call-start
scs
__scs_entry_jumppad:
0x0: {  	(pc) =	sbr.rel $0x88, $3  }
0x1: {  	(tag) =	ssettag $0x0;
	lr =	simm.s32 $0x1  }
0x2: {  	[smem:$0x3F97] =	sst lr;
	_ =	strace $0xD0000000  }
0x3: {  	_ = 	snop  }
0x4: {  	_ = 	snop  }
0x5: {  	_ = 	snop  }
0x6: {  	_ = 	snop  }
0x7: {  	_ = 	snop  }
__scs_overlays_trampoline_lowered:
0x8: {  	[smem:$0x3FA6] =	sst s0  }
0x9: {  	[smem:$0x3FA7] =	sst s1  }
0xa: {  	[smem:$0x3FA8] =	sst s2  }
0xb: {  	[smem:$0x3FA9] =	sst s3  }
0xc: {  	[smem:$0x3FAA] =	sst s4  }
0xd: {  	[smem:$0x3FAB] =	sst s5  }
0xe: {  	[smem:$0x3FAC] =	sst s6  }
0xf: {  	[smem:$0x3FAD] =	sst s7  }
0x10: {  	[smem:$0x3FAE] =	sst s8  }
0x11: {  	[smem:$0x3FAF] =	sst s9;
	s0 =	simm.s32 @!p0 $0x0  }
0x12: {  	s1 =	sld [smem:$0x3F95];
	s0 =	simm.s32 @p0 $0x1  }
0x13: {  	[smem:$0x3FB0] =	sst s0;
	s0 =	simm.s32 @!p1 $0x0  }
0x14: {  	s2 =	sld [smem:$0x3F94];
	s0 =	simm.s32 @p1 $0x1  }
0x15: {  	[smem:$0x3FB1] =	sst s0;
	s0 =	simm.s32 @!p2 $0x0  }
0x16: {  	s3 =	sld [smem:$0x3FDB];
	s0 =	simm.s32 @p2 $0x1  }
0x17: {  	s4 =	simm.s32 $0x1BF5;
	[smem:$0x3FB3] =	sst s0  }
0x18: {  	s0 =	sld [smem:$0x3F96];
	_ =	swait.ge [sflag:s4], $0x0  }
0x19: {  	s7 =	sld [smem:$0x3F97]  }
0x1a: {  	s8 =	sadd.s32 $0xFFFFE003, lr  }
0x1b: {  	s9 =	sadd.s32 $0xFFFFFEF7, lr;
	s5 =	simm.s32 $0xFFFFFFFF;
	p2 =	slt.u32 s8, $0xFFFFF086  }
0x1c: {  	p1 =	slt.u32 s9, $0xF7A;
	s5 =	simm.s32 @!p2 $0x0  }
0x1d: {  	s5 =	simm.s32 @p1 $0x1;
	p0 =	seq.s32 s7, s2  }
0x1e: {  	s7 =	smul.u32 @!p0 $0xF7A, s2;
	p2 =	seq.s32 @!p0 s5, $0x0  }
0x1f: {  	s9 =	smul.u32 $0xF7A, s1;
	s8 =	simm.s32 @!p0 $0x1BF5;
	p2 =	por !p2, p0  }
0x20: {  	[sflag:s8] =	ssyncset.s32 @!p0 $0xFFFFF086;
	s6 =	sadd.s32 @!p0 s3, s7;
	s7 =	simm.s32 @!p0 $0x108  }
0x21: {  	s3 =	sadd.s32 s3, s9;
	s6 =	sadd.s32 @!p0 $0x88, s6;
	s7 =	simm.s32 @p2 $0x1082  }
0x22: {  	[simem:s7], [sflag:s8] =	dma.local @!p0 [hbm:s6], $0xF7A  }
0x23: {  	s9 =	sor.u32 $0xD0000000, s2;
	s6 =	simm.s32 $0x108;
	_ =	swait.ge @!p0 [sflag:s8], $0x0  }
0x24: {  	s3 =	sadd.s32 $0x88, s3;
	s6 =	simm.s32 @!p1 $0x1082;
	[sflag:s4] =	ssyncset.s32 $0xFFFFF086  }
0x25: {  	[simem:s6], [sflag:s4] =	dma.local [hbm:s3], $0xF7A  }
0x26: {  	[smem:$0x3F97] =	sst s1;
	(tag) =	ssettag s2;
	_ =	strace s9  }
0x27: {  	s1 =	sld [smem:$0x3FA7]  }
0x28: {  	s2 =	sld [smem:$0x3FA8]  }
0x29: {  	s4 =	sld [smem:$0x3FAA]  }
0x2a: {  	p0 =	seq.s32 s5, $0x0;
	s5 =	sld [smem:$0x3FAB]  }
0x2b: {  	s6 =	sld [smem:$0x3FAC]  }
0x2c: {  	s7 =	sld [smem:$0x3FAD]  }
0x2d: {  	s3 =	simm.s32 $0x108;
	s8 =	sld [smem:$0x3FAE]  }
0x2e: {  	s3 =	simm.s32 @!p0 $0x1082;
	s9 =	sld [smem:$0x3FAF]  }
0x2f: {  	lr =	sadd.s32 s0, s3;
	s0 =	sld [smem:$0x3FA6]  }
0x30: {  	s3 =	sld [smem:$0x3FA9]  }
0x31: {  	[smem:$0x3FB2] =	sst s10  }
0x32: {  	s10 =	sld [smem:$0x3FB0];
	_ =	sdelay $0x3  }
0x33: {  	p0 =	seq.s32 s10, $0x1;
	s10 =	sld [smem:$0x3FB2];
	_ =	sdelay $0x3  }
0x34: {  	[smem:$0x3FB2] =	sst s10  }
0x35: {  	s10 =	sld [smem:$0x3FB1];
	_ =	sdelay $0x3  }
0x36: {  	p1 =	seq.s32 s10, $0x1;
	s10 =	sld [smem:$0x3FB2];
	_ =	sdelay $0x3  }
0x37: {  	[smem:$0x3FB2] =	sst s10  }
0x38: {  	s10 =	sld [smem:$0x3FB3]  }
0x39: {  	_ = 	snop;
	(pc) =	sbr.ind lr, $3  }
0x3a: {  	_ = 	snop  }
0x3b: {  	_ = 	snop  }
0x3c: {  	p2 =	seq.s32 s10, $0x1;
	s10 =	sld [smem:$0x3FB2]  }
0x3d: {  	_ =	shalt  }
0x3e: {  	_ =	shalt  }
0x3f: {  	_ =	shalt  }
0x40: {  	_ =	shalt  }
0x41: {  	_ =	shalt  }
0x42: {  	_ =	shalt  }
0x43: {  	_ =	shalt  }
0x44: {  	_ =	shalt  }
0x45: {  	_ =	shalt  }
0x46: {  	_ =	shalt  }
0x47: {  	_ =	shalt  }
0x48: {  	_ =	shalt  }
0x49: {  	_ =	shalt  }
0x4a: {  	_ =	shalt  }
0x4b: {  	_ =	shalt  }
0x4c: {  	_ =	shalt  }
0x4d: {  	_ =	shalt  }
0x4e: {  	_ =	shalt  }
0x4f: {  	_ =	shalt  }
0x50: {  	_ =	shalt  }
0x51: {  	_ =	shalt  }
0x52: {  	_ =	shalt  }
0x53: {  	_ =	shalt  }
0x54: {  	_ =	shalt  }
0x55: {  	_ =	shalt  }
0x56: {  	_ =	shalt  }
0x57: {  	_ =	shalt  }
0x58: {  	_ =	shalt  }
0x59: {  	_ =	shalt  }
0x5a: {  	_ =	shalt  }
0x5b: {  	_ =	shalt  }
0x5c: {  	_ =	shalt  }
0x5d: {  	_ =	shalt  }
0x5e: {  	_ =	shalt  }
0x5f: {  	_ =	shalt  }
0x60: {  	_ =	shalt  }
0x61: {  	_ =	shalt  }
0x62: {  	_ =	shalt  }
0x63: {  	_ =	shalt  }
0x64: {  	_ =	shalt  }
0x65: {  	_ =	shalt  }
0x66: {  	_ =	shalt  }
0x67: {  	_ =	shalt  }
0x68: {  	_ =	shalt  }
0x69: {  	_ =	shalt  }
0x6a: {  	_ =	shalt  }
0x6b: {  	_ =	shalt  }
0x6c: {  	_ =	shalt  }
0x6d: {  	_ =	shalt  }
0x6e: {  	_ =	shalt  }
0x6f: {  	_ =	shalt  }
0x70: {  	_ =	shalt  }
0x71: {  	_ =	shalt  }
0x72: {  	_ =	shalt  }
0x73: {  	_ =	shalt  }
0x74: {  	_ =	shalt  }
0x75: {  	_ =	shalt  }
0x76: {  	_ =	shalt  }
0x77: {  	_ =	shalt  }
0x78: {  	_ =	shalt  }
0x79: {  	_ =	shalt  }
0x7a: {  	_ =	shalt  }
0x7b: {  	_ =	shalt  }
0x7c: {  	_ =	shalt  }
0x7d: {  	_ =	shalt  }
0x7e: {  	_ =	shalt  }
0x7f: {  	_ =	shalt  }
0x80: {  	_ =	shalt  }
0x81: {  	_ =	shalt  }
0x82: {  	_ =	shalt  }
0x83: {  	_ =	shalt  }
0x84: {  	_ =	shalt  }
0x85: {  	_ =	shalt  }
0x86: {  	_ =	shalt  }
0x87: {  	_ =	shalt  }
.Lfunc_end0:
.L_simem_size_0:
called_computation_lowered:
.L_overlay_start_0:
0x88: {  	s2 =	sld [smem:$0x3FD9]  }
0x89: {  	s3 =	sld [smem:$0x3FFE];
	_ =	sdelay $0x1  }
0x8a: {  	s1 =	srdreg.scid  }
0x8b: {  	s0 =	sand.u32 $0x1, s1  }
0x8c: {  	s14 =	sshll.u32 s0, $0xA;
	s2 =	sadd.s32 s3, s2  }
0x8d: {  	s2 =	sadd.s32 s2, s14  }
0x8e: {  	[smem:$0x3FBE] =	sst s2  }
0x8f: {  	_ = 	snop  }
0x90: {  	s2 =	sld [smem:$0x3FD0];
	_ =	sdelay $0x2  }
0x91: {  	s15 =	simm.s32 $0xA;
	s4 =	simm.s32 $0x10  }
0x92: {  	[smem:s4], [sflag:s15] =	dma.local [hbm:s2], $0x1  }
0x93: {  	_ =	swait.eq [sflag:s15], $0x1  }
0x94: {  	[sflag:s15] =	ssyncset.done $0x0  }
0x95: {  	[sflag:s15] =	ssyncadd.s32 $0xFFFFFFFF  }
0x96: {  	s16 =	sld [smem:$0x10];
	(tm) =	ssettm $0x1  }
0x97: {  	s17 =	sld [smem:$0x3FFB];
	_ =	sdelay $0x3  }
0x98: {  	_ =	strace s17  }
0x99: {  	s3 =	sld [smem:$0x3FFC];
	_ =	sdelay $0x3  }
0x9a: {  	_ =	strace s3  }
0x9b: {  	s3 =	sld [smem:$0x3FFD];
	_ =	sdelay $0x3  }
0x9c: {  	_ =	strace s3  }
0x9d: {  	_ =	strace $0x8FFFFFFF  }
0x9e: {  	s18 =	sld [smem:$0x3FDB];
	_ =	sdelay $0x1  }
0x9f: {  	s19 =	simm.s32 $_scs_section_size  }
0xa0: {  	s5 =	simm.s32 $_size__tile_overlayer_lowered;
	s6 =	simm.s32 $_tile_overlayer_lowered  }
0xa1: {  	s22 =	simm.s32 $0x1BFF;
	s21 =	sshll.u32 s6, $0x1;
	s3 =	sadd.s32 s19, s18  }
0xa2: {  	s7 =	simm.s32 $0x0;
	s20 =	sshll.u32 s5, $0x1;
	s5 =	sadd.s32 s21, s3  }
0xa3: {  	[timem:s7], [sflag:s22] =	dma.local [hbm:s5], s20  }
0xa4: {  	_ =	swait.ge [sflag:s22], s20  }
0xa5: {  	s4 =	ssub.s32 $0x0, s20;
	[sflag:s22] =	ssyncset.done $0x0  }
0xa6: {  	[sflag:s22] =	ssyncadd.s32 s4;
	_ =	sdelay $0x1  }
0xa7: {  	s23 =	simm.s32 $0x1B8B  }
0xa8: {  	_ =	swait.ge [sflag:s23], $0x1  }
0xa9: {  	[sflag:s23] =	ssyncset.done $0x0  }
0xaa: {  	s25 =	simm.s32 $0x1B8E;
	s24 =	sld [smem:$0x3FFE];
	[sflag:s23] =	ssyncadd.s32 $0xFFFFFFFF  }
0xab: {  	s26 =	simm.s32 $execute0_lowered;
	[smem:$0x3FD2] =	sst s25  }
0xac: {  	s5 =	sshll.u32 s26, $0x1;
	_ =	strace $0x80000046;
	[dreg:$0x1] =	wrdreg $0xFFFFFFFF  }
0xad: {  	s28 =	simm.s32 $_size_execute0_lowered;
	s3 =	sadd.s32 s3, s5;
	[dreg:$0x0] =	wrdreg $0x0  }
0xae: {  	s5 =	sshll.u32 s28, $0x1;
	[dreg:$0x2] =	wrdreg s3  }
0xaf: {  	[dreg:$0x3] =	wrdreg s5  }
0xb0: {  	[dreg:$0x4] =	wrdreg $0xC0  }
0xb1: {  	_ =	task [dreg:s7], $0x5FFFF  }
0xb2: {  	[dreg:$0x1] =	wrdreg $0xFFFFFFFF  }
0xb3: {  	[dreg:$0x0] =	wrdreg $0x60  }
0xb4: {  	[dreg:$0x2] =	wrdreg s24  }
0xb5: {  	[dreg:$0x3] =	wrdreg s16  }
0xb6: {  	[dreg:$0x4] =	wrdreg $0x9  }
0xb7: {  	_ =	task.clear_ibuf [dreg:s7], $0x5FFFF;
	_ =	strace $0x90000046  }
0xb8: {  	s29 =	simm.s32 $0x9;
	_ =	strace $0x80000048  }
0xb9: {  	_ =	swait.ge [sflag:s29], $0x1  }
0xba: {  	[sflag:s29] =	ssyncadd.s32 $0xFFFFFFFF  }
0xbb: {  	_ =	strace $0x90000048  }
0xbc: {  	_ =	sfence  }
0xbd: {  	s30 =	sld [smem:$0x0];
	_ =	sdelay $0x2  }
0xbe: {  	s31 =	sshll.u32 s1, $0xD;
	s1 =	sshrl.u32 s1, $0x2  }
0xbf: {  	s3 =	sand.u32 $0x4000, s31;
	s1 =	sadd.s32 s1, s30  }
0xc0: {  	s0 =	sor.u32 s3, s0;
	s1 =	sshll.u32 s1, $0x11  }
0xc1: {  	s0 =	sor.u32 s1, s0  }
0xc2: {  	s0 =	sadd.s32 $0x8F2B, s0  }
0xc3: {  	[sflag:s0] =	ssyncadd.remote.s32 $0x1  }
0xc4: {  	_ =	sfence.sel $0xFFFF  }
0xc5: {  	[dreg:$0x0] =	wrdreg $0xFFFFFFFF;
	(pc) =	sbr.abs _section_cstart, $3  }
0xc6: {  	[dreg:$0x1] =	wrdreg $0xFFFFFFFF  }
0xc7: {  	_ =	task.clear_ibuf [dreg:s7], $0x2FFFF;
	_ =	strace $0x9FFFFFFF  }
0xc8: {  	(tm) =	ssettm $0x7FFFFFFF  }
0xc9: {  	_ =	shalt  }
tec
execute0_lowered:
.L_overlay_start_1:
0x0: {  	(tag) =	ssettag $0x1  }
0x1: {  	s1 =	srdreg.scid;
	s0 =	stileid.u32  }
0x2: {  	s6 =	sand.u32 $0x1, s1;
	s30 =	sshll.u32 s0, $0x1  }
0x3: {  	s5 =	rddreg [dreg:$0x0];
	s9 =	sor.u32 s6, s30  }
0x4: {  	s10 =	rddreg [dreg:$0x1];
	s2 =	simm.s32 $0x0;
	s3 =	smul.u32 $0x48, s9  }
0x5: {  	s7 =	simm.s32 $0x280;
	[smem:$0x7FF] =	sst s2  }
0x6: {  	s1 =	rddreg [dreg:$0x2];
	_ =	strace $0x80000047;
	s3 =	sadd.s32 s3, s5  }
0x7: {  	s11 =	ssub.s32 $0x2, s6;
	s4 =	sadd.s32 $0x3000, s3;
	s3 =	simm.s32 $0x2  }
0x8: {  	[tilespmem:s2], [sflag:$0x2] =	stream.linear.gather [hbm4b:s4+s2], $0x240, $0x38;
	[tilespmem:$0x12280] =	vst v63  }
0x9: {  	s8 =	simm.s32 $0x1;
	s12 =	sshrl.u32 s11, $0x1;
	_ =	swait.ge [sflag:s3], $0x240  }
0xa: {  	s6 =	simm.s32 $0x240;
	s11 =	ssub.s32 s11, s12;
	[sflag:s3] =	ssyncset.done $0x0  }
0xb: {  	s5 =	sadd.s32 $0x1000, s5;
	s31 =	smax.u32 s11, $0x1;
	[sflag:s3] =	ssyncadd.s32 $0xFFFFFDC0  }
0xc: {  	[tilespmem:s7], [sflag:$0x1] =	stream.indirect.gather [hbm4b:s5+s6], $0x80, s2, s6, $0xb8;
	[tilespmem:$0x12280] =	vst v63  }
0xd: {  	s9 =	smul.u32 $0x2400, s9;
	p0 =	sne.s32 s31, $0x1;
	_ =	swait.ge [sflag:s8], $0x12000  }
.Ltmp0:
0xe: {  	[sflag:s8] =	ssyncset.done $0x0;
	(pc) =	sbr.rel @!p0 .LBB2_2-.Ltmp0, $4  }
0xf: {  	s9 =	sadd.s32 s10, s9;
	[sflag:s8] =	ssyncadd.s32 $0xFFFEE000  }
0x10: {  	[hbm4b:s9+s2] =	stream.linear.scatter [tilespmem:s7], [sflag:$0x2], $0x12000, $0x38;
	[tilespmem:$0x12280] =	vst v63  }
0x11: {  	_ =	swait.ge [sflag:s3], $0x12000  }
0x12: {  	s10 =	sadd.s32 $0xFFFFFFFF, s31;
	[sflag:s3] =	ssyncset.done $0x0  }
.LBB2_1:
0x13: {  	p0 =	sne.s32 s10, $0x1;
	s10 =	sadd.s32 $0xFFFFFFFF, s10;
	[sflag:s3] =	ssyncadd.s32 $0xFFFEE000  }
0x14: {  	[tilespmem:s2], [sflag:$0x2] =	stream.linear.gather [hbm4b:s4+s2], $0x240, $0x38;
	[tilespmem:$0x12280] =	vst v63  }
0x15: {  	_ =	swait.ge [sflag:s3], $0x240  }
0x16: {  	[sflag:s3] =	ssyncset.done $0x0  }
0x17: {  	[sflag:s3] =	ssyncadd.s32 $0xFFFFFDC0  }
0x18: {  	[tilespmem:s7], [sflag:$0x1] =	stream.indirect.gather [hbm4b:s5+s6], $0x80, s2, s6, $0xb8;
	[tilespmem:$0x12280] =	vst v63  }
0x19: {  	_ =	swait.ge [sflag:s8], $0x12000  }
.Ltmp1:
0x1a: {  	[sflag:s8] =	ssyncset.done $0x0;
	(pc) =	sbr.rel @p0 .LBB2_1-.Ltmp1, $4  }
0x1b: {  	[sflag:s8] =	ssyncadd.s32 $0xFFFEE000  }
0x1c: {  	[hbm4b:s9+s2] =	stream.linear.scatter [tilespmem:s7], [sflag:$0x2], $0x12000, $0x38;
	[tilespmem:$0x12280] =	vst v63  }
0x1d: {  	_ =	swait.ge [sflag:s3], $0x12000  }
0x1e: {  	[sflag:s3] =	ssyncset.done $0x0  }
.LBB2_2:
0x1f: {  	[sflag:s3] =	ssyncadd.s32 $0xFFFEE000  }
0x20: {  	_ =	sfence.sel $0x180000  }
0x21: {  	[bflag:$0x0] =	sbarrier.arrive $0xFFFF  }
0x22: {  	p0 =	sne.s32 s0, $0x0;
	_ =	strace $0x90000047  }
0x23: {  	s0 =	sadd.s32 @!p0 $0x100000, s1;
	[bflag:$0x2] =	sbarrier.arrive $0xFFFF  }
0x24: {  	[sflag:s0] =	ssyncadd.tile.s32 @!p0 $0x1;
	_ =	shalt  }
.Lfunc_end2:
_tile_overlayer_lowered:
.L_overlay_start_2:
0x25: {  	(tag) =	ssettag $0x2  }
0x26: {  	s0 =	rddreg [dreg:$0x0];
	s2 =	stileid.u32  }
0x27: {  	s1 =	rddreg [dreg:$0x1];
	p0 =	sne.s32 s2, $0x0  }
0x28: {  	s3 =	rddreg [dreg:$0x2];
	[bflag:$0x3] =	sbarrier.arrive $0xFFFF;
	s2 =	simm.s32 @!p0 $0x1C02  }
0x29: {  	[timem:s3], [sflag:s2] =	dma.local @!p0 [hbm:s0], s1  }
0x2a: {  	s0 =	simm.s32 @!p0 $0x2  }
0x2b: {  	_ =	swait.ge @!p0 [sflag:s0], s1  }
0x2c: {  	s1 =	ssub.s32 @!p0 $0x0, s1;
	[sflag:s0] =	ssyncset.done @!p0 $0x0  }
0x2d: {  	[sflag:s0] =	ssyncadd.s32 @!p0 s1  }
0x2e: {  	[bflag:$0x3] =	sbarrier.arrive $0xFFFF  }
0x2f: {  	_ =	shalt  }

</sc_bundles>
